<compile_context>
chip_gen: v7x
topology: tpu7x:2x2x1
jax: 0.10.2.dev20260603
libtpu: 0.0.44.dev20260713+nightly
codegen_flags: <defaults>
</compile_context>

<pallas_src>
import functools

import jax
import jax.numpy as jnp
from jax import lax
from jax.experimental import pallas as pl
from jax.experimental.pallas import tpu as pltpu
from jax.experimental.pallas import tpu_sc as plsc

NUM_TOKENS = 4096 * 200
DIM = 128
NUM_CORES = 2
NUM_SUBCORES = 16
NUM_WORKERS = NUM_CORES * NUM_SUBCORES
PER_WORKER = NUM_TOKENS // NUM_WORKERS
CHUNK = 128
NUM_CHUNKS = PER_WORKER // CHUNK
NBUF = 5
LAG_W = 2
LAG_S = 3
NUM_GROUPS = NUM_CHUNKS // NBUF

_mesh = plsc.VectorSubcoreMesh(core_axis_name="c", subcore_axis_name="s")


@functools.partial(
    pl.kernel,
    out_type=jax.ShapeDtypeStruct((NUM_TOKENS, DIM), jnp.float32),
    mesh=_mesh,
    scratch_types=[
        pltpu.VMEM((NUM_CHUNKS, CHUNK), jnp.int32),
        pltpu.VMEM((NBUF, CHUNK, DIM), jnp.float32),
        pltpu.SemaphoreType.DMA((NBUF,)),
        pltpu.SemaphoreType.DMA((NBUF,)),
    ],
)
def _gather_kernel(table_hbm, idx_hbm, out_hbm, idx_v, rows_v, gsem, ssem):
    wid = lax.axis_index("s") * NUM_CORES + lax.axis_index("c")
    base = wid * PER_WORKER

    pltpu.sync_copy(idx_hbm.at[wid], idx_v)

    def gather_start(j, b):
        pltpu.async_copy(table_hbm.at[idx_v.at[j]], rows_v.at[b], gsem.at[b])

    def gather_wait(b):
        pltpu.make_async_copy(
            table_hbm.at[idx_v.at[0]], rows_v.at[b], gsem.at[b]
        ).wait()

    def store_start(j, b):
        pltpu.async_copy(
            rows_v.at[b], out_hbm.at[pl.ds(base + j * CHUNK, CHUNK)], ssem.at[b]
        )

    def store_wait(b):
        pltpu.make_async_copy(
            rows_v.at[b], out_hbm.at[pl.ds(base, CHUNK)], ssem.at[b]
        ).wait()

    for t in range(NBUF):
        if t >= LAG_W:
            gather_wait(t - LAG_W)
        if t >= LAG_S:
            store_start(t - LAG_S, t - LAG_S)
        gather_start(t, t)

    def body(g, carry):
        t0 = g * NBUF
        for b in range(NBUF):
            t = t0 + b
            gather_wait((b - LAG_W) % NBUF)
            store_start(t - LAG_S, (b - LAG_S) % NBUF)
            store_wait(b)
            gather_start(t, b)
        return carry

    lax.fori_loop(1, NUM_GROUPS, body, 0, unroll=False)

    for t in range(NUM_CHUNKS, NUM_CHUNKS + LAG_W):
        gather_wait((t - LAG_W) % NBUF)
        store_start(t - LAG_S, (t - LAG_S) % NBUF)
    t = NUM_CHUNKS + LAG_S - 1
    store_start(t - LAG_S, (t - LAG_S) % NBUF)
    for b in range(NBUF):
        store_wait(b)


def kernel(token_ids, embedding_matrix):
    idx = token_ids.reshape(NUM_WORKERS, NUM_CHUNKS, CHUNK).astype(jnp.int32)
    out = _gather_kernel(embedding_matrix, idx)
    return out.reshape(token_ids.shape[0], token_ids.shape[1], DIM)

# --- scband reference (transcript-rebuilt; emitter-appended) ---
"""Pipeline reference for scband-embedding-14757507629348 (READ-ONLY COPY).

The authoritative reference and input builder live on the scoring server;
editing this copy changes nothing except your own understanding.
"""

import jax, jax.numpy as jnp
import numpy as np

NUM_EMBEDDINGS = 100000
EMBEDDING_DIM = 128

def setup_inputs(seed: int = 0) -> dict:
    key = jax.random.key(seed)
    k_idx, k_w = jax.random.split(key)
    token_ids = jax.random.randint(k_idx, (4096, 200), 0, NUM_EMBEDDINGS, dtype=jnp.int64 if jax.config.jax_enable_x64 else jnp.int32)
    # trunc_normal_(mean=0, std=1, a=-3, b=3)
    embedding_matrix = jax.random.truncated_normal(k_w, -3.0, 3.0, (NUM_EMBEDDINGS, EMBEDDING_DIM), dtype=jnp.float32)
    return {"token_ids": token_ids, "embedding_matrix": embedding_matrix}

def reference(token_ids, embedding_matrix):
    # forward: self.embedding_matrix[token_ids]
    return jnp.take(embedding_matrix, token_ids, axis=0)

if __name__ == "__main__":
    import jax
    _d = setup_inputs()
    print(jax.jit(kernel)(*tuple(_d.values())))

</pallas_src>

<mosaic_0001>
#map = affine_map<(d0, d1) -> (0, 0)>
#map1 = affine_map<(d0, d1) -> (0, 0, 0)>
module attributes {stable_mosaic.version = 14 : i64} {
  func.func @_gather_kernel(%arg0: i32, %arg1: i32, %arg2: memref<100000x128xf32, #tpu.memory_space<hbm>>, %arg3: memref<32x200x128xi32, #tpu.memory_space<hbm>>, %arg4: memref<819200x128xf32, #tpu.memory_space<hbm>>, %arg5: memref<200x128xi32, #tpu.memory_space<vmem>>, %arg6: memref<5x128x128xf32, #tpu.memory_space<vmem>>, %arg7: memref<5x!tpu.dma_semaphore, #tpu.memory_space<semaphore_mem>>, %arg8: memref<5x!tpu.dma_semaphore, #tpu.memory_space<semaphore_mem>>) attributes {dimension_semantics = [#tpu.dimension_semantics<core_parallel>, #tpu.dimension_semantics<subcore_parallel>], iteration_bounds = array<i64: 2, 16>, scalar_prefetch = 0 : i64, scratch_operands = 4 : i64, tpu.core_type = #tpu.core_type<sc_vector_subcore>, window_params = [{transform_indices = #map}, {transform_indices = #map1}, {transform_indices = #map}]} {
    %mul3A = arith.constant 2 : i32
    %mul3A_0 = arith.muli %arg1, %mul3A : i32
    %add3A = arith.addi %mul3A_0, %arg0 : i32
    %mul3A_1 = arith.constant 25600 : i32
    %mul3A_2 = arith.muli %add3A, %mul3A_1 : i32
    "tpu.region"() ({
      %run_scoped3A = tpu.sem_alloc : memref<!tpu.dma_semaphore, #tpu.memory_space<semaphore_mem>>
      %dma_start3A_326 = arith.constant 0 : i32
      %dma_start3A_327 = arith.constant 0 : i32
      %dma_start3A_328 = tpu.memref_slice %arg3[%add3A, %dma_start3A_326, %dma_start3A_327] : memref<32x200x128xi32, #tpu.memory_space<hbm>> -> memref<1x200x128xi32, #tpu.memory_space<hbm>>
      %dma_start3A_329 = tpu.memref_squeeze %dma_start3A_328 : memref<1x200x128xi32, #tpu.memory_space<hbm>> -> memref<200x128xi32, #tpu.memory_space<hbm>>
      %dma_start3A_330 = arith.constant 0 : i32
      %dma_start3A_331 = arith.constant 0 : i32
      %dma_start3A_332 = tpu.memref_slice %arg3[%add3A, %dma_start3A_330, %dma_start3A_331] : memref<32x200x128xi32, #tpu.memory_space<hbm>> -> memref<1x200x128xi32, #tpu.memory_space<hbm>>
      %dma_start3A_333 = tpu.memref_squeeze %dma_start3A_332 : memref<1x200x128xi32, #tpu.memory_space<hbm>> -> memref<200x128xi32, #tpu.memory_space<hbm>>
      tpu.enqueue_dma source(%dma_start3A_333 : memref<200x128xi32, #tpu.memory_space<hbm>>) target(%arg5 : memref<200x128xi32, #tpu.memory_space<vmem>>) target_semaphore(%run_scoped3A : memref<!tpu.dma_semaphore, #tpu.memory_space<semaphore_mem>>)
      %dma_wait3A_334 = arith.constant 0 : i32
      %dma_wait3A_335 = arith.constant 0 : i32
      %dma_wait3A_336 = tpu.memref_slice %arg3[%add3A, %dma_wait3A_334, %dma_wait3A_335] : memref<32x200x128xi32, #tpu.memory_space<hbm>> -> memref<1x200x128xi32, #tpu.memory_space<hbm>>
      %dma_wait3A_337 = tpu.memref_squeeze %dma_wait3A_336 : memref<1x200x128xi32, #tpu.memory_space<hbm>> -> memref<200x128xi32, #tpu.memory_space<hbm>>
      %dma_wait3A_338 = arith.constant 0 : i32
      %dma_wait3A_339 = arith.constant 0 : i32
      %dma_wait3A_340 = tpu.memref_slice %arg3[%add3A, %dma_wait3A_338, %dma_wait3A_339] : memref<32x200x128xi32, #tpu.memory_space<hbm>> -> memref<1x200x128xi32, #tpu.memory_space<hbm>>
      %dma_wait3A_341 = tpu.memref_squeeze %dma_wait3A_340 : memref<1x200x128xi32, #tpu.memory_space<hbm>> -> memref<200x128xi32, #tpu.memory_space<hbm>>
      tpu.wait_dma2 semaphore(%run_scoped3A : memref<!tpu.dma_semaphore, #tpu.memory_space<semaphore_mem>>) src(%dma_wait3A_341 : memref<200x128xi32, #tpu.memory_space<hbm>>) dst(%arg5 : memref<200x128xi32, #tpu.memory_space<vmem>>)
      tpu.yield
    }) : () -> ()
    %dma_start3A = arith.constant 0 : i32
    %dma_start3A_3 = arith.constant 0 : i32
    %dma_start3A_4 = arith.constant 0 : i32
    %dma_start3A_5 = arith.constant 0 : i32
    %dma_start3A_6 = arith.constant 0 : i32
    %dma_start3A_7 = tpu.memref_slice %arg6[%dma_start3A_3, %dma_start3A_5, %dma_start3A_6] : memref<5x128x128xf32, #tpu.memory_space<vmem>> -> memref<1x128x128xf32, #tpu.memory_space<vmem>>
    %dma_start3A_8 = tpu.memref_squeeze %dma_start3A_7 : memref<1x128x128xf32, #tpu.memory_space<vmem>> -> memref<128x128xf32, #tpu.memory_space<vmem>>
    %dma_start3A_9 = arith.constant 0 : i32
    %dma_start3A_10 = tpu.memref_slice %arg5[%dma_start3A, %dma_start3A_9] : memref<200x128xi32, #tpu.memory_space<vmem>> -> memref<1x128xi32, #tpu.memory_space<vmem>>
    %dma_start3A_11 = tpu.memref_squeeze %dma_start3A_10 : memref<1x128xi32, #tpu.memory_space<vmem>> -> memref<128xi32, #tpu.memory_space<vmem>>
    %dma_start3A_12 = arith.constant 0 : i32
    %dma_start3A_13 = arith.constant 0 : i32
    %dma_start3A_14 = tpu.memref_slice %arg2[%dma_start3A_12, %dma_start3A_13] : memref<100000x128xf32, #tpu.memory_space<hbm>> -> memref<100000x128xf32, #tpu.memory_space<hbm>>
    %dma_start3A_15 = tpu.memref_slice %arg7[%dma_start3A_4] : memref<5x!tpu.dma_semaphore, #tpu.memory_space<semaphore_mem>> -> memref<1x!tpu.dma_semaphore, #tpu.memory_space<semaphore_mem>>
    %dma_start3A_16 = tpu.memref_squeeze %dma_start3A_15 : memref<1x!tpu.dma_semaphore, #tpu.memory_space<semaphore_mem>> -> memref<!tpu.dma_semaphore, #tpu.memory_space<semaphore_mem>>
    tpu.enqueue_indirect_dma source(%dma_start3A_14 : memref<100000x128xf32, #tpu.memory_space<hbm>>) target(%dma_start3A_8 : memref<128x128xf32, #tpu.memory_space<vmem>>) offsets(%dma_start3A_11 : memref<128xi32, #tpu.memory_space<vmem>>) semaphore(%dma_start3A_16 : memref<!tpu.dma_semaphore, #tpu.memory_space<semaphore_mem>>)
    %dma_start3A_17 = arith.constant 1 : i32
    %dma_start3A_18 = arith.constant 1 : i32
    %dma_start3A_19 = arith.constant 1 : i32
    %dma_start3A_20 = arith.constant 0 : i32
    %dma_start3A_21 = arith.constant 0 : i32
    %dma_start3A_22 = tpu.memref_slice %arg6[%dma_start3A_18, %dma_start3A_20, %dma_start3A_21] : memref<5x128x128xf32, #tpu.memory_space<vmem>> -> memref<1x128x128xf32, #tpu.memory_space<vmem>>
    %dma_start3A_23 = tpu.memref_squeeze %dma_start3A_22 : memref<1x128x128xf32, #tpu.memory_space<vmem>> -> memref<128x128xf32, #tpu.memory_space<vmem>>
    %dma_start3A_24 = arith.constant 0 : i32
    %dma_start3A_25 = tpu.memref_slice %arg5[%dma_start3A_17, %dma_start3A_24] : memref<200x128xi32, #tpu.memory_space<vmem>> -> memref<1x128xi32, #tpu.memory_space<vmem>>
    %dma_start3A_26 = tpu.memref_squeeze %dma_start3A_25 : memref<1x128xi32, #tpu.memory_space<vmem>> -> memref<128xi32, #tpu.memory_space<vmem>>
    %dma_start3A_27 = arith.constant 0 : i32
    %dma_start3A_28 = arith.constant 0 : i32
    %dma_start3A_29 = tpu.memref_slice %arg2[%dma_start3A_27, %dma_start3A_28] : memref<100000x128xf32, #tpu.memory_space<hbm>> -> memref<100000x128xf32, #tpu.memory_space<hbm>>
    %dma_start3A_30 = tpu.memref_slice %arg7[%dma_start3A_19] : memref<5x!tpu.dma_semaphore, #tpu.memory_space<semaphore_mem>> -> memref<1x!tpu.dma_semaphore, #tpu.memory_space<semaphore_mem>>
    %dma_start3A_31 = tpu.memref_squeeze %dma_start3A_30 : memref<1x!tpu.dma_semaphore, #tpu.memory_space<semaphore_mem>> -> memref<!tpu.dma_semaphore, #tpu.memory_space<semaphore_mem>>
    tpu.enqueue_indirect_dma source(%dma_start3A_29 : memref<100000x128xf32, #tpu.memory_space<hbm>>) target(%dma_start3A_23 : memref<128x128xf32, #tpu.memory_space<vmem>>) offsets(%dma_start3A_26 : memref<128xi32, #tpu.memory_space<vmem>>) semaphore(%dma_start3A_31 : memref<!tpu.dma_semaphore, #tpu.memory_space<semaphore_mem>>)
    %dma_wait3A = arith.constant 0 : i32
    %dma_wait3A_32 = arith.constant 0 : i32
    %dma_wait3A_33 = arith.constant 0 : i32
    %dma_wait3A_34 = arith.constant 0 : i32
    %dma_wait3A_35 = arith.constant 0 : i32
    %dma_wait3A_36 = tpu.memref_slice %arg6[%dma_wait3A_32, %dma_wait3A_34, %dma_wait3A_35] : memref<5x128x128xf32, #tpu.memory_space<vmem>> -> memref<1x128x128xf32, #tpu.memory_space<vmem>>
    %dma_wait3A_37 = tpu.memref_squeeze %dma_wait3A_36 : memref<1x128x128xf32, #tpu.memory_space<vmem>> -> memref<128x128xf32, #tpu.memory_space<vmem>>
    %dma_wait3A_38 = arith.constant 0 : i32
    %dma_wait3A_39 = tpu.memref_slice %arg5[%dma_wait3A, %dma_wait3A_38] : memref<200x128xi32, #tpu.memory_space<vmem>> -> memref<1x128xi32, #tpu.memory_space<vmem>>
    %dma_wait3A_40 = tpu.memref_squeeze %dma_wait3A_39 : memref<1x128xi32, #tpu.memory_space<vmem>> -> memref<128xi32, #tpu.memory_space<vmem>>
    %dma_wait3A_41 = arith.constant 0 : i32
    %dma_wait3A_42 = arith.constant 0 : i32
    %dma_wait3A_43 = tpu.memref_slice %arg2[%dma_wait3A_41, %dma_wait3A_42] : memref<100000x128xf32, #tpu.memory_space<hbm>> -> memref<100000x128xf32, #tpu.memory_space<hbm>>
    %dma_wait3A_44 = tpu.memref_slice %arg7[%dma_wait3A_33] : memref<5x!tpu.dma_semaphore, #tpu.memory_space<semaphore_mem>> -> memref<1x!tpu.dma_semaphore, #tpu.memory_space<semaphore_mem>>
    %dma_wait3A_45 = tpu.memref_squeeze %dma_wait3A_44 : memref<1x!tpu.dma_semaphore, #tpu.memory_space<semaphore_mem>> -> memref<!tpu.dma_semaphore, #tpu.memory_space<semaphore_mem>>
    tpu.wait_indirect_dma semaphore(%dma_wait3A_45 : memref<!tpu.dma_semaphore, #tpu.memory_space<semaphore_mem>>) src(%dma_wait3A_43 : memref<100000x128xf32, #tpu.memory_space<hbm>>) dst(%dma_wait3A_37 : memref<128x128xf32, #tpu.memory_space<vmem>>)
    %dma_start3A_46 = arith.constant 2 : i32
    %dma_start3A_47 = arith.constant 2 : i32
    %dma_start3A_48 = arith.constant 2 : i32
    %dma_start3A_49 = arith.constant 0 : i32
    %dma_start3A_50 = arith.constant 0 : i32
    %dma_start3A_51 = tpu.memref_slice %arg6[%dma_start3A_47, %dma_start3A_49, %dma_start3A_50] : memref<5x128x128xf32, #tpu.memory_space<vmem>> -> memref<1x128x128xf32, #tpu.memory_space<vmem>>
    %dma_start3A_52 = tpu.memref_squeeze %dma_start3A_51 : memref<1x128x128xf32, #tpu.memory_space<vmem>> -> memref<128x128xf32, #tpu.memory_space<vmem>>
    %dma_start3A_53 = arith.constant 0 : i32
    %dma_start3A_54 = tpu.memref_slice %arg5[%dma_start3A_46, %dma_start3A_53] : memref<200x128xi32, #tpu.memory_space<vmem>> -> memref<1x128xi32, #tpu.memory_space<vmem>>
    %dma_start3A_55 = tpu.memref_squeeze %dma_start3A_54 : memref<1x128xi32, #tpu.memory_space<vmem>> -> memref<128xi32, #tpu.memory_space<vmem>>
    %dma_start3A_56 = arith.constant 0 : i32
    %dma_start3A_57 = arith.constant 0 : i32
    %dma_start3A_58 = tpu.memref_slice %arg2[%dma_start3A_56, %dma_start3A_57] : memref<100000x128xf32, #tpu.memory_space<hbm>> -> memref<100000x128xf32, #tpu.memory_space<hbm>>
    %dma_start3A_59 = tpu.memref_slice %arg7[%dma_start3A_48] : memref<5x!tpu.dma_semaphore, #tpu.memory_space<semaphore_mem>> -> memref<1x!tpu.dma_semaphore, #tpu.memory_space<semaphore_mem>>
    %dma_start3A_60 = tpu.memref_squeeze %dma_start3A_59 : memref<1x!tpu.dma_semaphore, #tpu.memory_space<semaphore_mem>> -> memref<!tpu.dma_semaphore, #tpu.memory_space<semaphore_mem>>
    tpu.enqueue_indirect_dma source(%dma_start3A_58 : memref<100000x128xf32, #tpu.memory_space<hbm>>) target(%dma_start3A_52 : memref<128x128xf32, #tpu.memory_space<vmem>>) offsets(%dma_start3A_55 : memref<128xi32, #tpu.memory_space<vmem>>) semaphore(%dma_start3A_60 : memref<!tpu.dma_semaphore, #tpu.memory_space<semaphore_mem>>)
    %dma_wait3A_61 = arith.constant 0 : i32
    %dma_wait3A_62 = arith.constant 1 : i32
    %dma_wait3A_63 = arith.constant 1 : i32
    %dma_wait3A_64 = arith.constant 0 : i32
    %dma_wait3A_65 = arith.constant 0 : i32
    %dma_wait3A_66 = tpu.memref_slice %arg6[%dma_wait3A_62, %dma_wait3A_64, %dma_wait3A_65] : memref<5x128x128xf32, #tpu.memory_space<vmem>> -> memref<1x128x128xf32, #tpu.memory_space<vmem>>
    %dma_wait3A_67 = tpu.memref_squeeze %dma_wait3A_66 : memref<1x128x128xf32, #tpu.memory_space<vmem>> -> memref<128x128xf32, #tpu.memory_space<vmem>>
    %dma_wait3A_68 = arith.constant 0 : i32
    %dma_wait3A_69 = tpu.memref_slice %arg5[%dma_wait3A_61, %dma_wait3A_68] : memref<200x128xi32, #tpu.memory_space<vmem>> -> memref<1x128xi32, #tpu.memory_space<vmem>>
    %dma_wait3A_70 = tpu.memref_squeeze %dma_wait3A_69 : memref<1x128xi32, #tpu.memory_space<vmem>> -> memref<128xi32, #tpu.memory_space<vmem>>
    %dma_wait3A_71 = arith.constant 0 : i32
    %dma_wait3A_72 = arith.constant 0 : i32
    %dma_wait3A_73 = tpu.memref_slice %arg2[%dma_wait3A_71, %dma_wait3A_72] : memref<100000x128xf32, #tpu.memory_space<hbm>> -> memref<100000x128xf32, #tpu.memory_space<hbm>>
    %dma_wait3A_74 = tpu.memref_slice %arg7[%dma_wait3A_63] : memref<5x!tpu.dma_semaphore, #tpu.memory_space<semaphore_mem>> -> memref<1x!tpu.dma_semaphore, #tpu.memory_space<semaphore_mem>>
    %dma_wait3A_75 = tpu.memref_squeeze %dma_wait3A_74 : memref<1x!tpu.dma_semaphore, #tpu.memory_space<semaphore_mem>> -> memref<!tpu.dma_semaphore, #tpu.memory_space<semaphore_mem>>
    tpu.wait_indirect_dma semaphore(%dma_wait3A_75 : memref<!tpu.dma_semaphore, #tpu.memory_space<semaphore_mem>>) src(%dma_wait3A_73 : memref<100000x128xf32, #tpu.memory_space<hbm>>) dst(%dma_wait3A_67 : memref<128x128xf32, #tpu.memory_space<vmem>>)
    %add3A_76 = arith.constant 0 : i32
    %add3A_77 = arith.addi %mul3A_2, %add3A_76 : i32
    %dma_start3A_78 = arith.constant 0 : i32
    %dma_start3A_79 = arith.constant 0 : i32
    %dma_start3A_80 = arith.constant 0 : i32
    %dma_start3A_81 = arith.constant 0 : i32
    %dma_start3A_82 = tpu.memref_slice %arg6[%dma_start3A_78, %dma_start3A_80, %dma_start3A_81] : memref<5x128x128xf32, #tpu.memory_space<vmem>> -> memref<1x128x128xf32, #tpu.memory_space<vmem>>
    %dma_start3A_83 = tpu.memref_squeeze %dma_start3A_82 : memref<1x128x128xf32, #tpu.memory_space<vmem>> -> memref<128x128xf32, #tpu.memory_space<vmem>>
    %dma_start3A_84 = arith.constant 0 : i32
    %dma_start3A_85 = tpu.memref_slice %arg4[%add3A_77, %dma_start3A_84] : memref<819200x128xf32, #tpu.memory_space<hbm>> -> memref<128x128xf32, #tpu.memory_space<hbm>>
    %dma_start3A_86 = tpu.memref_slice %arg8[%dma_start3A_79] : memref<5x!tpu.dma_semaphore, #tpu.memory_space<semaphore_mem>> -> memref<1x!tpu.dma_semaphore, #tpu.memory_space<semaphore_mem>>
    %dma_start3A_87 = tpu.memref_squeeze %dma_start3A_86 : memref<1x!tpu.dma_semaphore, #tpu.memory_space<semaphore_mem>> -> memref<!tpu.dma_semaphore, #tpu.memory_space<semaphore_mem>>
    %dma_start3A_88 = arith.constant 0 : i32
    %dma_start3A_89 = tpu.memref_slice %arg4[%add3A_77, %dma_start3A_88] : memref<819200x128xf32, #tpu.memory_space<hbm>> -> memref<128x128xf32, #tpu.memory_space<hbm>>
    %dma_start3A_90 = arith.constant 0 : i32
    %dma_start3A_91 = arith.constant 0 : i32
    %dma_start3A_92 = tpu.memref_slice %arg6[%dma_start3A_78, %dma_start3A_90, %dma_start3A_91] : memref<5x128x128xf32, #tpu.memory_space<vmem>> -> memref<1x128x128xf32, #tpu.memory_space<vmem>>
    %dma_start3A_93 = tpu.memref_squeeze %dma_start3A_92 : memref<1x128x128xf32, #tpu.memory_space<vmem>> -> memref<128x128xf32, #tpu.memory_space<vmem>>
    tpu.enqueue_dma source(%dma_start3A_93 : memref<128x128xf32, #tpu.memory_space<vmem>>) target(%dma_start3A_89 : memref<128x128xf32, #tpu.memory_space<hbm>>) target_semaphore(%dma_start3A_87 : memref<!tpu.dma_semaphore, #tpu.memory_space<semaphore_mem>>)
    %dma_start3A_94 = arith.constant 3 : i32
    %dma_start3A_95 = arith.constant 3 : i32
    %dma_start3A_96 = arith.constant 3 : i32
    %dma_start3A_97 = arith.constant 0 : i32
    %dma_start3A_98 = arith.constant 0 : i32
    %dma_start3A_99 = tpu.memref_slice %arg6[%dma_start3A_95, %dma_start3A_97, %dma_start3A_98] : memref<5x128x128xf32, #tpu.memory_space<vmem>> -> memref<1x128x128xf32, #tpu.memory_space<vmem>>
    %dma_start3A_100 = tpu.memref_squeeze %dma_start3A_99 : memref<1x128x128xf32, #tpu.memory_space<vmem>> -> memref<128x128xf32, #tpu.memory_space<vmem>>
    %dma_start3A_101 = arith.constant 0 : i32
    %dma_start3A_102 = tpu.memref_slice %arg5[%dma_start3A_94, %dma_start3A_101] : memref<200x128xi32, #tpu.memory_space<vmem>> -> memref<1x128xi32, #tpu.memory_space<vmem>>
    %dma_start3A_103 = tpu.memref_squeeze %dma_start3A_102 : memref<1x128xi32, #tpu.memory_space<vmem>> -> memref<128xi32, #tpu.memory_space<vmem>>
    %dma_start3A_104 = arith.constant 0 : i32
    %dma_start3A_105 = arith.constant 0 : i32
    %dma_start3A_106 = tpu.memref_slice %arg2[%dma_start3A_104, %dma_start3A_105] : memref<100000x128xf32, #tpu.memory_space<hbm>> -> memref<100000x128xf32, #tpu.memory_space<hbm>>
    %dma_start3A_107 = tpu.memref_slice %arg7[%dma_start3A_96] : memref<5x!tpu.dma_semaphore, #tpu.memory_space<semaphore_mem>> -> memref<1x!tpu.dma_semaphore, #tpu.memory_space<semaphore_mem>>
    %dma_start3A_108 = tpu.memref_squeeze %dma_start3A_107 : memref<1x!tpu.dma_semaphore, #tpu.memory_space<semaphore_mem>> -> memref<!tpu.dma_semaphore, #tpu.memory_space<semaphore_mem>>
    tpu.enqueue_indirect_dma source(%dma_start3A_106 : memref<100000x128xf32, #tpu.memory_space<hbm>>) target(%dma_start3A_100 : memref<128x128xf32, #tpu.memory_space<vmem>>) offsets(%dma_start3A_103 : memref<128xi32, #tpu.memory_space<vmem>>) semaphore(%dma_start3A_108 : memref<!tpu.dma_semaphore, #tpu.memory_space<semaphore_mem>>)
    %dma_wait3A_109 = arith.constant 0 : i32
    %dma_wait3A_110 = arith.constant 2 : i32
    %dma_wait3A_111 = arith.constant 2 : i32
    %dma_wait3A_112 = arith.constant 0 : i32
    %dma_wait3A_113 = arith.constant 0 : i32
    %dma_wait3A_114 = tpu.memref_slice %arg6[%dma_wait3A_110, %dma_wait3A_112, %dma_wait3A_113] : memref<5x128x128xf32, #tpu.memory_space<vmem>> -> memref<1x128x128xf32, #tpu.memory_space<vmem>>
    %dma_wait3A_115 = tpu.memref_squeeze %dma_wait3A_114 : memref<1x128x128xf32, #tpu.memory_space<vmem>> -> memref<128x128xf32, #tpu.memory_space<vmem>>
    %dma_wait3A_116 = arith.constant 0 : i32
    %dma_wait3A_117 = tpu.memref_slice %arg5[%dma_wait3A_109, %dma_wait3A_116] : memref<200x128xi32, #tpu.memory_space<vmem>> -> memref<1x128xi32, #tpu.memory_space<vmem>>
    %dma_wait3A_118 = tpu.memref_squeeze %dma_wait3A_117 : memref<1x128xi32, #tpu.memory_space<vmem>> -> memref<128xi32, #tpu.memory_space<vmem>>
    %dma_wait3A_119 = arith.constant 0 : i32
    %dma_wait3A_120 = arith.constant 0 : i32
    %dma_wait3A_121 = tpu.memref_slice %arg2[%dma_wait3A_119, %dma_wait3A_120] : memref<100000x128xf32, #tpu.memory_space<hbm>> -> memref<100000x128xf32, #tpu.memory_space<hbm>>
    %dma_wait3A_122 = tpu.memref_slice %arg7[%dma_wait3A_111] : memref<5x!tpu.dma_semaphore, #tpu.memory_space<semaphore_mem>> -> memref<1x!tpu.dma_semaphore, #tpu.memory_space<semaphore_mem>>
    %dma_wait3A_123 = tpu.memref_squeeze %dma_wait3A_122 : memref<1x!tpu.dma_semaphore, #tpu.memory_space<semaphore_mem>> -> memref<!tpu.dma_semaphore, #tpu.memory_space<semaphore_mem>>
    tpu.wait_indirect_dma semaphore(%dma_wait3A_123 : memref<!tpu.dma_semaphore, #tpu.memory_space<semaphore_mem>>) src(%dma_wait3A_121 : memref<100000x128xf32, #tpu.memory_space<hbm>>) dst(%dma_wait3A_115 : memref<128x128xf32, #tpu.memory_space<vmem>>)
    %add3A_124 = arith.constant 128 : i32
    %add3A_125 = arith.addi %mul3A_2, %add3A_124 : i32
    %dma_start3A_126 = arith.constant 1 : i32
    %dma_start3A_127 = arith.constant 1 : i32
    %dma_start3A_128 = arith.constant 0 : i32
    %dma_start3A_129 = arith.constant 0 : i32
    %dma_start3A_130 = tpu.memref_slice %arg6[%dma_start3A_126, %dma_start3A_128, %dma_start3A_129] : memref<5x128x128xf32, #tpu.memory_space<vmem>> -> memref<1x128x128xf32, #tpu.memory_space<vmem>>
    %dma_start3A_131 = tpu.memref_squeeze %dma_start3A_130 : memref<1x128x128xf32, #tpu.memory_space<vmem>> -> memref<128x128xf32, #tpu.memory_space<vmem>>
    %dma_start3A_132 = arith.constant 0 : i32
    %dma_start3A_133 = tpu.memref_slice %arg4[%add3A_125, %dma_start3A_132] : memref<819200x128xf32, #tpu.memory_space<hbm>> -> memref<128x128xf32, #tpu.memory_space<hbm>>
    %dma_start3A_134 = tpu.memref_slice %arg8[%dma_start3A_127] : memref<5x!tpu.dma_semaphore, #tpu.memory_space<semaphore_mem>> -> memref<1x!tpu.dma_semaphore, #tpu.memory_space<semaphore_mem>>
    %dma_start3A_135 = tpu.memref_squeeze %dma_start3A_134 : memref<1x!tpu.dma_semaphore, #tpu.memory_space<semaphore_mem>> -> memref<!tpu.dma_semaphore, #tpu.memory_space<semaphore_mem>>
    %dma_start3A_136 = arith.constant 0 : i32
    %dma_start3A_137 = tpu.memref_slice %arg4[%add3A_125, %dma_start3A_136] : memref<819200x128xf32, #tpu.memory_space<hbm>> -> memref<128x128xf32, #tpu.memory_space<hbm>>
    %dma_start3A_138 = arith.constant 0 : i32
    %dma_start3A_139 = arith.constant 0 : i32
    %dma_start3A_140 = tpu.memref_slice %arg6[%dma_start3A_126, %dma_start3A_138, %dma_start3A_139] : memref<5x128x128xf32, #tpu.memory_space<vmem>> -> memref<1x128x128xf32, #tpu.memory_space<vmem>>
    %dma_start3A_141 = tpu.memref_squeeze %dma_start3A_140 : memref<1x128x128xf32, #tpu.memory_space<vmem>> -> memref<128x128xf32, #tpu.memory_space<vmem>>
    tpu.enqueue_dma source(%dma_start3A_141 : memref<128x128xf32, #tpu.memory_space<vmem>>) target(%dma_start3A_137 : memref<128x128xf32, #tpu.memory_space<hbm>>) target_semaphore(%dma_start3A_135 : memref<!tpu.dma_semaphore, #tpu.memory_space<semaphore_mem>>)
    %dma_start3A_142 = arith.constant 4 : i32
    %dma_start3A_143 = arith.constant 4 : i32
    %dma_start3A_144 = arith.constant 4 : i32
    %dma_start3A_145 = arith.constant 0 : i32
    %dma_start3A_146 = arith.constant 0 : i32
    %dma_start3A_147 = tpu.memref_slice %arg6[%dma_start3A_143, %dma_start3A_145, %dma_start3A_146] : memref<5x128x128xf32, #tpu.memory_space<vmem>> -> memref<1x128x128xf32, #tpu.memory_space<vmem>>
    %dma_start3A_148 = tpu.memref_squeeze %dma_start3A_147 : memref<1x128x128xf32, #tpu.memory_space<vmem>> -> memref<128x128xf32, #tpu.memory_space<vmem>>
    %dma_start3A_149 = arith.constant 0 : i32
    %dma_start3A_150 = tpu.memref_slice %arg5[%dma_start3A_142, %dma_start3A_149] : memref<200x128xi32, #tpu.memory_space<vmem>> -> memref<1x128xi32, #tpu.memory_space<vmem>>
    %dma_start3A_151 = tpu.memref_squeeze %dma_start3A_150 : memref<1x128xi32, #tpu.memory_space<vmem>> -> memref<128xi32, #tpu.memory_space<vmem>>
    %dma_start3A_152 = arith.constant 0 : i32
    %dma_start3A_153 = arith.constant 0 : i32
    %dma_start3A_154 = tpu.memref_slice %arg2[%dma_start3A_152, %dma_start3A_153] : memref<100000x128xf32, #tpu.memory_space<hbm>> -> memref<100000x128xf32, #tpu.memory_space<hbm>>
    %dma_start3A_155 = tpu.memref_slice %arg7[%dma_start3A_144] : memref<5x!tpu.dma_semaphore, #tpu.memory_space<semaphore_mem>> -> memref<1x!tpu.dma_semaphore, #tpu.memory_space<semaphore_mem>>
    %dma_start3A_156 = tpu.memref_squeeze %dma_start3A_155 : memref<1x!tpu.dma_semaphore, #tpu.memory_space<semaphore_mem>> -> memref<!tpu.dma_semaphore, #tpu.memory_space<semaphore_mem>>
    tpu.enqueue_indirect_dma source(%dma_start3A_154 : memref<100000x128xf32, #tpu.memory_space<hbm>>) target(%dma_start3A_148 : memref<128x128xf32, #tpu.memory_space<vmem>>) offsets(%dma_start3A_151 : memref<128xi32, #tpu.memory_space<vmem>>) semaphore(%dma_start3A_156 : memref<!tpu.dma_semaphore, #tpu.memory_space<semaphore_mem>>)
    %scan3A = arith.constant 0 : i32
    %scan3A_157 = arith.constant 1 : i32
    %scan3A_158 = arith.constant 39 : i32
    %scan3A_159 = arith.addi %scan3A_157, %scan3A_158 : i32
    %scan3A_160 = arith.constant 1 : i32
    scf.for %scan3A_326 = %scan3A_157 to %scan3A_159 step %scan3A_160  : i32 {
      %mul3A_327 = arith.constant 5 : i32
      %mul3A_328 = arith.muli %scan3A_326, %mul3A_327 : i32
      %add3A_329 = arith.constant 0 : i32
      %add3A_330 = arith.addi %mul3A_328, %add3A_329 : i32
      %dma_wait3A_331 = arith.constant 0 : i32
      %dma_wait3A_332 = arith.constant 3 : i32
      %dma_wait3A_333 = arith.constant 3 : i32
      %dma_wait3A_334 = arith.constant 0 : i32
      %dma_wait3A_335 = arith.constant 0 : i32
      %dma_wait3A_336 = tpu.memref_slice %arg6[%dma_wait3A_332, %dma_wait3A_334, %dma_wait3A_335] : memref<5x128x128xf32, #tpu.memory_space<vmem>> -> memref<1x128x128xf32, #tpu.memory_space<vmem>>
      %dma_wait3A_337 = tpu.memref_squeeze %dma_wait3A_336 : memref<1x128x128xf32, #tpu.memory_space<vmem>> -> memref<128x128xf32, #tpu.memory_space<vmem>>
      %dma_wait3A_338 = arith.constant 0 : i32
      %dma_wait3A_339 = tpu.memref_slice %arg5[%dma_wait3A_331, %dma_wait3A_338] : memref<200x128xi32, #tpu.memory_space<vmem>> -> memref<1x128xi32, #tpu.memory_space<vmem>>
      %dma_wait3A_340 = tpu.memref_squeeze %dma_wait3A_339 : memref<1x128xi32, #tpu.memory_space<vmem>> -> memref<128xi32, #tpu.memory_space<vmem>>
      %dma_wait3A_341 = arith.constant 0 : i32
      %dma_wait3A_342 = arith.constant 0 : i32
      %dma_wait3A_343 = tpu.memref_slice %arg2[%dma_wait3A_341, %dma_wait3A_342] : memref<100000x128xf32, #tpu.memory_space<hbm>> -> memref<100000x128xf32, #tpu.memory_space<hbm>>
      %dma_wait3A_344 = tpu.memref_slice %arg7[%dma_wait3A_333] : memref<5x!tpu.dma_semaphore, #tpu.memory_space<semaphore_mem>> -> memref<1x!tpu.dma_semaphore, #tpu.memory_space<semaphore_mem>>
      %dma_wait3A_345 = tpu.memref_squeeze %dma_wait3A_344 : memref<1x!tpu.dma_semaphore, #tpu.memory_space<semaphore_mem>> -> memref<!tpu.dma_semaphore, #tpu.memory_space<semaphore_mem>>
      tpu.wait_indirect_dma semaphore(%dma_wait3A_345 : memref<!tpu.dma_semaphore, #tpu.memory_space<semaphore_mem>>) src(%dma_wait3A_343 : memref<100000x128xf32, #tpu.memory_space<hbm>>) dst(%dma_wait3A_337 : memref<128x128xf32, #tpu.memory_space<vmem>>)
      %sub3A = arith.constant 3 : i32
      %sub3A_346 = arith.subi %add3A_330, %sub3A : i32
      %mul3A_347 = arith.constant 128 : i32
      %mul3A_348 = arith.muli %sub3A_346, %mul3A_347 : i32
      %add3A_349 = arith.addi %mul3A_2, %mul3A_348 : i32
      %dma_start3A_350 = arith.constant 2 : i32
      %dma_start3A_351 = arith.constant 2 : i32
      %dma_start3A_352 = arith.constant 0 : i32
      %dma_start3A_353 = arith.constant 0 : i32
      %dma_start3A_354 = tpu.memref_slice %arg6[%dma_start3A_350, %dma_start3A_352, %dma_start3A_353] : memref<5x128x128xf32, #tpu.memory_space<vmem>> -> memref<1x128x128xf32, #tpu.memory_space<vmem>>
      %dma_start3A_355 = tpu.memref_squeeze %dma_start3A_354 : memref<1x128x128xf32, #tpu.memory_space<vmem>> -> memref<128x128xf32, #tpu.memory_space<vmem>>
      %dma_start3A_356 = arith.constant 0 : i32
      %dma_start3A_357 = tpu.memref_slice %arg4[%add3A_349, %dma_start3A_356] : memref<819200x128xf32, #tpu.memory_space<hbm>> -> memref<128x128xf32, #tpu.memory_space<hbm>>
      %dma_start3A_358 = tpu.memref_slice %arg8[%dma_start3A_351] : memref<5x!tpu.dma_semaphore, #tpu.memory_space<semaphore_mem>> -> memref<1x!tpu.dma_semaphore, #tpu.memory_space<semaphore_mem>>
      %dma_start3A_359 = tpu.memref_squeeze %dma_start3A_358 : memref<1x!tpu.dma_semaphore, #tpu.memory_space<semaphore_mem>> -> memref<!tpu.dma_semaphore, #tpu.memory_space<semaphore_mem>>
      %dma_start3A_360 = arith.constant 0 : i32
      %dma_start3A_361 = tpu.memref_slice %arg4[%add3A_349, %dma_start3A_360] : memref<819200x128xf32, #tpu.memory_space<hbm>> -> memref<128x128xf32, #tpu.memory_space<hbm>>
      %dma_start3A_362 = arith.constant 0 : i32
      %dma_start3A_363 = arith.constant 0 : i32
      %dma_start3A_364 = tpu.memref_slice %arg6[%dma_start3A_350, %dma_start3A_362, %dma_start3A_363] : memref<5x128x128xf32, #tpu.memory_space<vmem>> -> memref<1x128x128xf32, #tpu.memory_space<vmem>>
      %dma_start3A_365 = tpu.memref_squeeze %dma_start3A_364 : memref<1x128x128xf32, #tpu.memory_space<vmem>> -> memref<128x128xf32, #tpu.memory_space<vmem>>
      tpu.enqueue_dma source(%dma_start3A_365 : memref<128x128xf32, #tpu.memory_space<vmem>>) target(%dma_start3A_361 : memref<128x128xf32, #tpu.memory_space<hbm>>) target_semaphore(%dma_start3A_359 : memref<!tpu.dma_semaphore, #tpu.memory_space<semaphore_mem>>)
      %dma_wait3A_366 = arith.constant 0 : i32
      %dma_wait3A_367 = arith.constant 0 : i32
      %dma_wait3A_368 = arith.constant 0 : i32
      %dma_wait3A_369 = arith.constant 0 : i32
      %dma_wait3A_370 = tpu.memref_slice %arg6[%dma_wait3A_366, %dma_wait3A_368, %dma_wait3A_369] : memref<5x128x128xf32, #tpu.memory_space<vmem>> -> memref<1x128x128xf32, #tpu.memory_space<vmem>>
      %dma_wait3A_371 = tpu.memref_squeeze %dma_wait3A_370 : memref<1x128x128xf32, #tpu.memory_space<vmem>> -> memref<128x128xf32, #tpu.memory_space<vmem>>
      %dma_wait3A_372 = arith.constant 0 : i32
      %dma_wait3A_373 = tpu.memref_slice %arg4[%mul3A_2, %dma_wait3A_372] : memref<819200x128xf32, #tpu.memory_space<hbm>> -> memref<128x128xf32, #tpu.memory_space<hbm>>
      %dma_wait3A_374 = tpu.memref_slice %arg8[%dma_wait3A_367] : memref<5x!tpu.dma_semaphore, #tpu.memory_space<semaphore_mem>> -> memref<1x!tpu.dma_semaphore, #tpu.memory_space<semaphore_mem>>
      %dma_wait3A_375 = tpu.memref_squeeze %dma_wait3A_374 : memref<1x!tpu.dma_semaphore, #tpu.memory_space<semaphore_mem>> -> memref<!tpu.dma_semaphore, #tpu.memory_space<semaphore_mem>>
      %dma_wait3A_376 = arith.constant 0 : i32
      %dma_wait3A_377 = tpu.memref_slice %arg4[%mul3A_2, %dma_wait3A_376] : memref<819200x128xf32, #tpu.memory_space<hbm>> -> memref<128x128xf32, #tpu.memory_space<hbm>>
      %dma_wait3A_378 = arith.constant 0 : i32
      %dma_wait3A_379 = arith.constant 0 : i32
      %dma_wait3A_380 = tpu.memref_slice %arg6[%dma_wait3A_366, %dma_wait3A_378, %dma_wait3A_379] : memref<5x128x128xf32, #tpu.memory_space<vmem>> -> memref<1x128x128xf32, #tpu.memory_space<vmem>>
      %dma_wait3A_381 = tpu.memref_squeeze %dma_wait3A_380 : memref<1x128x128xf32, #tpu.memory_space<vmem>> -> memref<128x128xf32, #tpu.memory_space<vmem>>
      tpu.wait_dma2 semaphore(%dma_wait3A_375 : memref<!tpu.dma_semaphore, #tpu.memory_space<semaphore_mem>>) src(%dma_wait3A_381 : memref<128x128xf32, #tpu.memory_space<vmem>>) dst(%dma_wait3A_377 : memref<128x128xf32, #tpu.memory_space<hbm>>)
      %dma_start3A_382 = arith.constant 0 : i32
      %dma_start3A_383 = arith.constant 0 : i32
      %dma_start3A_384 = arith.constant 0 : i32
      %dma_start3A_385 = arith.constant 0 : i32
      %dma_start3A_386 = tpu.memref_slice %arg6[%dma_start3A_382, %dma_start3A_384, %dma_start3A_385] : memref<5x128x128xf32, #tpu.memory_space<vmem>> -> memref<1x128x128xf32, #tpu.memory_space<vmem>>
      %dma_start3A_387 = tpu.memref_squeeze %dma_start3A_386 : memref<1x128x128xf32, #tpu.memory_space<vmem>> -> memref<128x128xf32, #tpu.memory_space<vmem>>
      %dma_start3A_388 = arith.constant 0 : i32
      %dma_start3A_389 = tpu.memref_slice %arg5[%add3A_330, %dma_start3A_388] : memref<200x128xi32, #tpu.memory_space<vmem>> -> memref<1x128xi32, #tpu.memory_space<vmem>>
      %dma_start3A_390 = tpu.memref_squeeze %dma_start3A_389 : memref<1x128xi32, #tpu.memory_space<vmem>> -> memref<128xi32, #tpu.memory_space<vmem>>
      %dma_start3A_391 = arith.constant 0 : i32
      %dma_start3A_392 = arith.constant 0 : i32
      %dma_start3A_393 = tpu.memref_slice %arg2[%dma_start3A_391, %dma_start3A_392] : memref<100000x128xf32, #tpu.memory_space<hbm>> -> memref<100000x128xf32, #tpu.memory_space<hbm>>
      %dma_start3A_394 = tpu.memref_slice %arg7[%dma_start3A_383] : memref<5x!tpu.dma_semaphore, #tpu.memory_space<semaphore_mem>> -> memref<1x!tpu.dma_semaphore, #tpu.memory_space<semaphore_mem>>
      %dma_start3A_395 = tpu.memref_squeeze %dma_start3A_394 : memref<1x!tpu.dma_semaphore, #tpu.memory_space<semaphore_mem>> -> memref<!tpu.dma_semaphore, #tpu.memory_space<semaphore_mem>>
      tpu.enqueue_indirect_dma source(%dma_start3A_393 : memref<100000x128xf32, #tpu.memory_space<hbm>>) target(%dma_start3A_387 : memref<128x128xf32, #tpu.memory_space<vmem>>) offsets(%dma_start3A_390 : memref<128xi32, #tpu.memory_space<vmem>>) semaphore(%dma_start3A_395 : memref<!tpu.dma_semaphore, #tpu.memory_space<semaphore_mem>>)
      %add3A_396 = arith.constant 1 : i32
      %add3A_397 = arith.addi %mul3A_328, %add3A_396 : i32
      %dma_wait3A_398 = arith.constant 0 : i32
      %dma_wait3A_399 = arith.constant 4 : i32
      %dma_wait3A_400 = arith.constant 4 : i32
      %dma_wait3A_401 = arith.constant 0 : i32
      %dma_wait3A_402 = arith.constant 0 : i32
      %dma_wait3A_403 = tpu.memref_slice %arg6[%dma_wait3A_399, %dma_wait3A_401, %dma_wait3A_402] : memref<5x128x128xf32, #tpu.memory_space<vmem>> -> memref<1x128x128xf32, #tpu.memory_space<vmem>>
      %dma_wait3A_404 = tpu.memref_squeeze %dma_wait3A_403 : memref<1x128x128xf32, #tpu.memory_space<vmem>> -> memref<128x128xf32, #tpu.memory_space<vmem>>
      %dma_wait3A_405 = arith.constant 0 : i32
      %dma_wait3A_406 = tpu.memref_slice %arg5[%dma_wait3A_398, %dma_wait3A_405] : memref<200x128xi32, #tpu.memory_space<vmem>> -> memref<1x128xi32, #tpu.memory_space<vmem>>
      %dma_wait3A_407 = tpu.memref_squeeze %dma_wait3A_406 : memref<1x128xi32, #tpu.memory_space<vmem>> -> memref<128xi32, #tpu.memory_space<vmem>>
      %dma_wait3A_408 = arith.constant 0 : i32
      %dma_wait3A_409 = arith.constant 0 : i32
      %dma_wait3A_410 = tpu.memref_slice %arg2[%dma_wait3A_408, %dma_wait3A_409] : memref<100000x128xf32, #tpu.memory_space<hbm>> -> memref<100000x128xf32, #tpu.memory_space<hbm>>
      %dma_wait3A_411 = tpu.memref_slice %arg7[%dma_wait3A_400] : memref<5x!tpu.dma_semaphore, #tpu.memory_space<semaphore_mem>> -> memref<1x!tpu.dma_semaphore, #tpu.memory_space<semaphore_mem>>
      %dma_wait3A_412 = tpu.memref_squeeze %dma_wait3A_411 : memref<1x!tpu.dma_semaphore, #tpu.memory_space<semaphore_mem>> -> memref<!tpu.dma_semaphore, #tpu.memory_space<semaphore_mem>>
      tpu.wait_indirect_dma semaphore(%dma_wait3A_412 : memref<!tpu.dma_semaphore, #tpu.memory_space<semaphore_mem>>) src(%dma_wait3A_410 : memref<100000x128xf32, #tpu.memory_space<hbm>>) dst(%dma_wait3A_404 : memref<128x128xf32, #tpu.memory_space<vmem>>)
      %sub3A_413 = arith.constant 3 : i32
      %sub3A_414 = arith.subi %add3A_397, %sub3A_413 : i32
      %mul3A_415 = arith.constant 128 : i32
      %mul3A_416 = arith.muli %sub3A_414, %mul3A_415 : i32
      %add3A_417 = arith.addi %mul3A_2, %mul3A_416 : i32
      %dma_start3A_418 = arith.constant 3 : i32
      %dma_start3A_419 = arith.constant 3 : i32
      %dma_start3A_420 = arith.constant 0 : i32
      %dma_start3A_421 = arith.constant 0 : i32
      %dma_start3A_422 = tpu.memref_slice %arg6[%dma_start3A_418, %dma_start3A_420, %dma_start3A_421] : memref<5x128x128xf32, #tpu.memory_space<vmem>> -> memref<1x128x128xf32, #tpu.memory_space<vmem>>
      %dma_start3A_423 = tpu.memref_squeeze %dma_start3A_422 : memref<1x128x128xf32, #tpu.memory_space<vmem>> -> memref<128x128xf32, #tpu.memory_space<vmem>>
      %dma_start3A_424 = arith.constant 0 : i32
      %dma_start3A_425 = tpu.memref_slice %arg4[%add3A_417, %dma_start3A_424] : memref<819200x128xf32, #tpu.memory_space<hbm>> -> memref<128x128xf32, #tpu.memory_space<hbm>>
      %dma_start3A_426 = tpu.memref_slice %arg8[%dma_start3A_419] : memref<5x!tpu.dma_semaphore, #tpu.memory_space<semaphore_mem>> -> memref<1x!tpu.dma_semaphore, #tpu.memory_space<semaphore_mem>>
      %dma_start3A_427 = tpu.memref_squeeze %dma_start3A_426 : memref<1x!tpu.dma_semaphore, #tpu.memory_space<semaphore_mem>> -> memref<!tpu.dma_semaphore, #tpu.memory_space<semaphore_mem>>
      %dma_start3A_428 = arith.constant 0 : i32
      %dma_start3A_429 = tpu.memref_slice %arg4[%add3A_417, %dma_start3A_428] : memref<819200x128xf32, #tpu.memory_space<hbm>> -> memref<128x128xf32, #tpu.memory_space<hbm>>
      %dma_start3A_430 = arith.constant 0 : i32
      %dma_start3A_431 = arith.constant 0 : i32
      %dma_start3A_432 = tpu.memref_slice %arg6[%dma_start3A_418, %dma_start3A_430, %dma_start3A_431] : memref<5x128x128xf32, #tpu.memory_space<vmem>> -> memref<1x128x128xf32, #tpu.memory_space<vmem>>
      %dma_start3A_433 = tpu.memref_squeeze %dma_start3A_432 : memref<1x128x128xf32, #tpu.memory_space<vmem>> -> memref<128x128xf32, #tpu.memory_space<vmem>>
      tpu.enqueue_dma source(%dma_start3A_433 : memref<128x128xf32, #tpu.memory_space<vmem>>) target(%dma_start3A_429 : memref<128x128xf32, #tpu.memory_space<hbm>>) target_semaphore(%dma_start3A_427 : memref<!tpu.dma_semaphore, #tpu.memory_space<semaphore_mem>>)
      %dma_wait3A_434 = arith.constant 1 : i32
      %dma_wait3A_435 = arith.constant 1 : i32
      %dma_wait3A_436 = arith.constant 0 : i32
      %dma_wait3A_437 = arith.constant 0 : i32
      %dma_wait3A_438 = tpu.memref_slice %arg6[%dma_wait3A_434, %dma_wait3A_436, %dma_wait3A_437] : memref<5x128x128xf32, #tpu.memory_space<vmem>> -> memref<1x128x128xf32, #tpu.memory_space<vmem>>
      %dma_wait3A_439 = tpu.memref_squeeze %dma_wait3A_438 : memref<1x128x128xf32, #tpu.memory_space<vmem>> -> memref<128x128xf32, #tpu.memory_space<vmem>>
      %dma_wait3A_440 = arith.constant 0 : i32
      %dma_wait3A_441 = tpu.memref_slice %arg4[%mul3A_2, %dma_wait3A_440] : memref<819200x128xf32, #tpu.memory_space<hbm>> -> memref<128x128xf32, #tpu.memory_space<hbm>>
      %dma_wait3A_442 = tpu.memref_slice %arg8[%dma_wait3A_435] : memref<5x!tpu.dma_semaphore, #tpu.memory_space<semaphore_mem>> -> memref<1x!tpu.dma_semaphore, #tpu.memory_space<semaphore_mem>>
      %dma_wait3A_443 = tpu.memref_squeeze %dma_wait3A_442 : memref<1x!tpu.dma_semaphore, #tpu.memory_space<semaphore_mem>> -> memref<!tpu.dma_semaphore, #tpu.memory_space<semaphore_mem>>
      %dma_wait3A_444 = arith.constant 0 : i32
      %dma_wait3A_445 = tpu.memref_slice %arg4[%mul3A_2, %dma_wait3A_444] : memref<819200x128xf32, #tpu.memory_space<hbm>> -> memref<128x128xf32, #tpu.memory_space<hbm>>
      %dma_wait3A_446 = arith.constant 0 : i32
      %dma_wait3A_447 = arith.constant 0 : i32
      %dma_wait3A_448 = tpu.memref_slice %arg6[%dma_wait3A_434, %dma_wait3A_446, %dma_wait3A_447] : memref<5x128x128xf32, #tpu.memory_space<vmem>> -> memref<1x128x128xf32, #tpu.memory_space<vmem>>
      %dma_wait3A_449 = tpu.memref_squeeze %dma_wait3A_448 : memref<1x128x128xf32, #tpu.memory_space<vmem>> -> memref<128x128xf32, #tpu.memory_space<vmem>>
      tpu.wait_dma2 semaphore(%dma_wait3A_443 : memref<!tpu.dma_semaphore, #tpu.memory_space<semaphore_mem>>) src(%dma_wait3A_449 : memref<128x128xf32, #tpu.memory_space<vmem>>) dst(%dma_wait3A_445 : memref<128x128xf32, #tpu.memory_space<hbm>>)
      %dma_start3A_450 = arith.constant 1 : i32
      %dma_start3A_451 = arith.constant 1 : i32
      %dma_start3A_452 = arith.constant 0 : i32
      %dma_start3A_453 = arith.constant 0 : i32
      %dma_start3A_454 = tpu.memref_slice %arg6[%dma_start3A_450, %dma_start3A_452, %dma_start3A_453] : memref<5x128x128xf32, #tpu.memory_space<vmem>> -> memref<1x128x128xf32, #tpu.memory_space<vmem>>
      %dma_start3A_455 = tpu.memref_squeeze %dma_start3A_454 : memref<1x128x128xf32, #tpu.memory_space<vmem>> -> memref<128x128xf32, #tpu.memory_space<vmem>>
      %dma_start3A_456 = arith.constant 0 : i32
      %dma_start3A_457 = tpu.memref_slice %arg5[%add3A_397, %dma_start3A_456] : memref<200x128xi32, #tpu.memory_space<vmem>> -> memref<1x128xi32, #tpu.memory_space<vmem>>
      %dma_start3A_458 = tpu.memref_squeeze %dma_start3A_457 : memref<1x128xi32, #tpu.memory_space<vmem>> -> memref<128xi32, #tpu.memory_space<vmem>>
      %dma_start3A_459 = arith.constant 0 : i32
      %dma_start3A_460 = arith.constant 0 : i32
      %dma_start3A_461 = tpu.memref_slice %arg2[%dma_start3A_459, %dma_start3A_460] : memref<100000x128xf32, #tpu.memory_space<hbm>> -> memref<100000x128xf32, #tpu.memory_space<hbm>>
      %dma_start3A_462 = tpu.memref_slice %arg7[%dma_start3A_451] : memref<5x!tpu.dma_semaphore, #tpu.memory_space<semaphore_mem>> -> memref<1x!tpu.dma_semaphore, #tpu.memory_space<semaphore_mem>>
      %dma_start3A_463 = tpu.memref_squeeze %dma_start3A_462 : memref<1x!tpu.dma_semaphore, #tpu.memory_space<semaphore_mem>> -> memref<!tpu.dma_semaphore, #tpu.memory_space<semaphore_mem>>
      tpu.enqueue_indirect_dma source(%dma_start3A_461 : memref<100000x128xf32, #tpu.memory_space<hbm>>) target(%dma_start3A_455 : memref<128x128xf32, #tpu.memory_space<vmem>>) offsets(%dma_start3A_458 : memref<128xi32, #tpu.memory_space<vmem>>) semaphore(%dma_start3A_463 : memref<!tpu.dma_semaphore, #tpu.memory_space<semaphore_mem>>)
      %add3A_464 = arith.constant 2 : i32
      %add3A_465 = arith.addi %mul3A_328, %add3A_464 : i32
      %dma_wait3A_466 = arith.constant 0 : i32
      %dma_wait3A_467 = arith.constant 0 : i32
      %dma_wait3A_468 = arith.constant 0 : i32
      %dma_wait3A_469 = arith.constant 0 : i32
      %dma_wait3A_470 = arith.constant 0 : i32
      %dma_wait3A_471 = tpu.memref_slice %arg6[%dma_wait3A_467, %dma_wait3A_469, %dma_wait3A_470] : memref<5x128x128xf32, #tpu.memory_space<vmem>> -> memref<1x128x128xf32, #tpu.memory_space<vmem>>
      %dma_wait3A_472 = tpu.memref_squeeze %dma_wait3A_471 : memref<1x128x128xf32, #tpu.memory_space<vmem>> -> memref<128x128xf32, #tpu.memory_space<vmem>>
      %dma_wait3A_473 = arith.constant 0 : i32
      %dma_wait3A_474 = tpu.memref_slice %arg5[%dma_wait3A_466, %dma_wait3A_473] : memref<200x128xi32, #tpu.memory_space<vmem>> -> memref<1x128xi32, #tpu.memory_space<vmem>>
      %dma_wait3A_475 = tpu.memref_squeeze %dma_wait3A_474 : memref<1x128xi32, #tpu.memory_space<vmem>> -> memref<128xi32, #tpu.memory_space<vmem>>
      %dma_wait3A_476 = arith.constant 0 : i32
      %dma_wait3A_477 = arith.constant 0 : i32
      %dma_wait3A_478 = tpu.memref_slice %arg2[%dma_wait3A_476, %dma_wait3A_477] : memref<100000x128xf32, #tpu.memory_space<hbm>> -> memref<100000x128xf32, #tpu.memory_space<hbm>>
      %dma_wait3A_479 = tpu.memref_slice %arg7[%dma_wait3A_468] : memref<5x!tpu.dma_semaphore, #tpu.memory_space<semaphore_mem>> -> memref<1x!tpu.dma_semaphore, #tpu.memory_space<semaphore_mem>>
      %dma_wait3A_480 = tpu.memref_squeeze %dma_wait3A_479 : memref<1x!tpu.dma_semaphore, #tpu.memory_space<semaphore_mem>> -> memref<!tpu.dma_semaphore, #tpu.memory_space<semaphore_mem>>
      tpu.wait_indirect_dma semaphore(%dma_wait3A_480 : memref<!tpu.dma_semaphore, #tpu.memory_space<semaphore_mem>>) src(%dma_wait3A_478 : memref<100000x128xf32, #tpu.memory_space<hbm>>) dst(%dma_wait3A_472 : memref<128x128xf32, #tpu.memory_space<vmem>>)
      %sub3A_481 = arith.constant 3 : i32
      %sub3A_482 = arith.subi %add3A_465, %sub3A_481 : i32
      %mul3A_483 = arith.constant 128 : i32
      %mul3A_484 = arith.muli %sub3A_482, %mul3A_483 : i32
      %add3A_485 = arith.addi %mul3A_2, %mul3A_484 : i32
      %dma_start3A_486 = arith.constant 4 : i32
      %dma_start3A_487 = arith.constant 4 : i32
      %dma_start3A_488 = arith.constant 0 : i32
      %dma_start3A_489 = arith.constant 0 : i32
      %dma_start3A_490 = tpu.memref_slice %arg6[%dma_start3A_486, %dma_start3A_488, %dma_start3A_489] : memref<5x128x128xf32, #tpu.memory_space<vmem>> -> memref<1x128x128xf32, #tpu.memory_space<vmem>>
      %dma_start3A_491 = tpu.memref_squeeze %dma_start3A_490 : memref<1x128x128xf32, #tpu.memory_space<vmem>> -> memref<128x128xf32, #tpu.memory_space<vmem>>
      %dma_start3A_492 = arith.constant 0 : i32
      %dma_start3A_493 = tpu.memref_slice %arg4[%add3A_485, %dma_start3A_492] : memref<819200x128xf32, #tpu.memory_space<hbm>> -> memref<128x128xf32, #tpu.memory_space<hbm>>
      %dma_start3A_494 = tpu.memref_slice %arg8[%dma_start3A_487] : memref<5x!tpu.dma_semaphore, #tpu.memory_space<semaphore_mem>> -> memref<1x!tpu.dma_semaphore, #tpu.memory_space<semaphore_mem>>
      %dma_start3A_495 = tpu.memref_squeeze %dma_start3A_494 : memref<1x!tpu.dma_semaphore, #tpu.memory_space<semaphore_mem>> -> memref<!tpu.dma_semaphore, #tpu.memory_space<semaphore_mem>>
      %dma_start3A_496 = arith.constant 0 : i32
      %dma_start3A_497 = tpu.memref_slice %arg4[%add3A_485, %dma_start3A_496] : memref<819200x128xf32, #tpu.memory_space<hbm>> -> memref<128x128xf32, #tpu.memory_space<hbm>>
      %dma_start3A_498 = arith.constant 0 : i32
      %dma_start3A_499 = arith.constant 0 : i32
      %dma_start3A_500 = tpu.memref_slice %arg6[%dma_start3A_486, %dma_start3A_498, %dma_start3A_499] : memref<5x128x128xf32, #tpu.memory_space<vmem>> -> memref<1x128x128xf32, #tpu.memory_space<vmem>>
      %dma_start3A_501 = tpu.memref_squeeze %dma_start3A_500 : memref<1x128x128xf32, #tpu.memory_space<vmem>> -> memref<128x128xf32, #tpu.memory_space<vmem>>
      tpu.enqueue_dma source(%dma_start3A_501 : memref<128x128xf32, #tpu.memory_space<vmem>>) target(%dma_start3A_497 : memref<128x128xf32, #tpu.memory_space<hbm>>) target_semaphore(%dma_start3A_495 : memref<!tpu.dma_semaphore, #tpu.memory_space<semaphore_mem>>)
      %dma_wait3A_502 = arith.constant 2 : i32
      %dma_wait3A_503 = arith.constant 2 : i32
      %dma_wait3A_504 = arith.constant 0 : i32
      %dma_wait3A_505 = arith.constant 0 : i32
      %dma_wait3A_506 = tpu.memref_slice %arg6[%dma_wait3A_502, %dma_wait3A_504, %dma_wait3A_505] : memref<5x128x128xf32, #tpu.memory_space<vmem>> -> memref<1x128x128xf32, #tpu.memory_space<vmem>>
      %dma_wait3A_507 = tpu.memref_squeeze %dma_wait3A_506 : memref<1x128x128xf32, #tpu.memory_space<vmem>> -> memref<128x128xf32, #tpu.memory_space<vmem>>
      %dma_wait3A_508 = arith.constant 0 : i32
      %dma_wait3A_509 = tpu.memref_slice %arg4[%mul3A_2, %dma_wait3A_508] : memref<819200x128xf32, #tpu.memory_space<hbm>> -> memref<128x128xf32, #tpu.memory_space<hbm>>
      %dma_wait3A_510 = tpu.memref_slice %arg8[%dma_wait3A_503] : memref<5x!tpu.dma_semaphore, #tpu.memory_space<semaphore_mem>> -> memref<1x!tpu.dma_semaphore, #tpu.memory_space<semaphore_mem>>
      %dma_wait3A_511 = tpu.memref_squeeze %dma_wait3A_510 : memref<1x!tpu.dma_semaphore, #tpu.memory_space<semaphore_mem>> -> memref<!tpu.dma_semaphore, #tpu.memory_space<semaphore_mem>>
      %dma_wait3A_512 = arith.constant 0 : i32
      %dma_wait3A_513 = tpu.memref_slice %arg4[%mul3A_2, %dma_wait3A_512] : memref<819200x128xf32, #tpu.memory_space<hbm>> -> memref<128x128xf32, #tpu.memory_space<hbm>>
      %dma_wait3A_514 = arith.constant 0 : i32
      %dma_wait3A_515 = arith.constant 0 : i32
      %dma_wait3A_516 = tpu.memref_slice %arg6[%dma_wait3A_502, %dma_wait3A_514, %dma_wait3A_515] : memref<5x128x128xf32, #tpu.memory_space<vmem>> -> memref<1x128x128xf32, #tpu.memory_space<vmem>>
      %dma_wait3A_517 = tpu.memref_squeeze %dma_wait3A_516 : memref<1x128x128xf32, #tpu.memory_space<vmem>> -> memref<128x128xf32, #tpu.memory_space<vmem>>
      tpu.wait_dma2 semaphore(%dma_wait3A_511 : memref<!tpu.dma_semaphore, #tpu.memory_space<semaphore_mem>>) src(%dma_wait3A_517 : memref<128x128xf32, #tpu.memory_space<vmem>>) dst(%dma_wait3A_513 : memref<128x128xf32, #tpu.memory_space<hbm>>)
      %dma_start3A_518 = arith.constant 2 : i32
      %dma_start3A_519 = arith.constant 2 : i32
      %dma_start3A_520 = arith.constant 0 : i32
      %dma_start3A_521 = arith.constant 0 : i32
      %dma_start3A_522 = tpu.memref_slice %arg6[%dma_start3A_518, %dma_start3A_520, %dma_start3A_521] : memref<5x128x128xf32, #tpu.memory_space<vmem>> -> memref<1x128x128xf32, #tpu.memory_space<vmem>>
      %dma_start3A_523 = tpu.memref_squeeze %dma_start3A_522 : memref<1x128x128xf32, #tpu.memory_space<vmem>> -> memref<128x128xf32, #tpu.memory_space<vmem>>
      %dma_start3A_524 = arith.constant 0 : i32
      %dma_start3A_525 = tpu.memref_slice %arg5[%add3A_465, %dma_start3A_524] : memref<200x128xi32, #tpu.memory_space<vmem>> -> memref<1x128xi32, #tpu.memory_space<vmem>>
      %dma_start3A_526 = tpu.memref_squeeze %dma_start3A_525 : memref<1x128xi32, #tpu.memory_space<vmem>> -> memref<128xi32, #tpu.memory_space<vmem>>
      %dma_start3A_527 = arith.constant 0 : i32
      %dma_start3A_528 = arith.constant 0 : i32
      %dma_start3A_529 = tpu.memref_slice %arg2[%dma_start3A_527, %dma_start3A_528] : memref<100000x128xf32, #tpu.memory_space<hbm>> -> memref<100000x128xf32, #tpu.memory_space<hbm>>
      %dma_start3A_530 = tpu.memref_slice %arg7[%dma_start3A_519] : memref<5x!tpu.dma_semaphore, #tpu.memory_space<semaphore_mem>> -> memref<1x!tpu.dma_semaphore, #tpu.memory_space<semaphore_mem>>
      %dma_start3A_531 = tpu.memref_squeeze %dma_start3A_530 : memref<1x!tpu.dma_semaphore, #tpu.memory_space<semaphore_mem>> -> memref<!tpu.dma_semaphore, #tpu.memory_space<semaphore_mem>>
      tpu.enqueue_indirect_dma source(%dma_start3A_529 : memref<100000x128xf32, #tpu.memory_space<hbm>>) target(%dma_start3A_523 : memref<128x128xf32, #tpu.memory_space<vmem>>) offsets(%dma_start3A_526 : memref<128xi32, #tpu.memory_space<vmem>>) semaphore(%dma_start3A_531 : memref<!tpu.dma_semaphore, #tpu.memory_space<semaphore_mem>>)
      %add3A_532 = arith.constant 3 : i32
      %add3A_533 = arith.addi %mul3A_328, %add3A_532 : i32
      %dma_wait3A_534 = arith.constant 0 : i32
      %dma_wait3A_535 = arith.constant 1 : i32
      %dma_wait3A_536 = arith.constant 1 : i32
      %dma_wait3A_537 = arith.constant 0 : i32
      %dma_wait3A_538 = arith.constant 0 : i32
      %dma_wait3A_539 = tpu.memref_slice %arg6[%dma_wait3A_535, %dma_wait3A_537, %dma_wait3A_538] : memref<5x128x128xf32, #tpu.memory_space<vmem>> -> memref<1x128x128xf32, #tpu.memory_space<vmem>>
      %dma_wait3A_540 = tpu.memref_squeeze %dma_wait3A_539 : memref<1x128x128xf32, #tpu.memory_space<vmem>> -> memref<128x128xf32, #tpu.memory_space<vmem>>
      %dma_wait3A_541 = arith.constant 0 : i32
      %dma_wait3A_542 = tpu.memref_slice %arg5[%dma_wait3A_534, %dma_wait3A_541] : memref<200x128xi32, #tpu.memory_space<vmem>> -> memref<1x128xi32, #tpu.memory_space<vmem>>
      %dma_wait3A_543 = tpu.memref_squeeze %dma_wait3A_542 : memref<1x128xi32, #tpu.memory_space<vmem>> -> memref<128xi32, #tpu.memory_space<vmem>>
      %dma_wait3A_544 = arith.constant 0 : i32
      %dma_wait3A_545 = arith.constant 0 : i32
      %dma_wait3A_546 = tpu.memref_slice %arg2[%dma_wait3A_544, %dma_wait3A_545] : memref<100000x128xf32, #tpu.memory_space<hbm>> -> memref<100000x128xf32, #tpu.memory_space<hbm>>
      %dma_wait3A_547 = tpu.memref_slice %arg7[%dma_wait3A_536] : memref<5x!tpu.dma_semaphore, #tpu.memory_space<semaphore_mem>> -> memref<1x!tpu.dma_semaphore, #tpu.memory_space<semaphore_mem>>
      %dma_wait3A_548 = tpu.memref_squeeze %dma_wait3A_547 : memref<1x!tpu.dma_semaphore, #tpu.memory_space<semaphore_mem>> -> memref<!tpu.dma_semaphore, #tpu.memory_space<semaphore_mem>>
      tpu.wait_indirect_dma semaphore(%dma_wait3A_548 : memref<!tpu.dma_semaphore, #tpu.memory_space<semaphore_mem>>) src(%dma_wait3A_546 : memref<100000x128xf32, #tpu.memory_space<hbm>>) dst(%dma_wait3A_540 : memref<128x128xf32, #tpu.memory_space<vmem>>)
      %sub3A_549 = arith.constant 3 : i32
      %sub3A_550 = arith.subi %add3A_533, %sub3A_549 : i32
      %mul3A_551 = arith.constant 128 : i32
      %mul3A_552 = arith.muli %sub3A_550, %mul3A_551 : i32
      %add3A_553 = arith.addi %mul3A_2, %mul3A_552 : i32
      %dma_start3A_554 = arith.constant 0 : i32
      %dma_start3A_555 = arith.constant 0 : i32
      %dma_start3A_556 = arith.constant 0 : i32
      %dma_start3A_557 = arith.constant 0 : i32
      %dma_start3A_558 = tpu.memref_slice %arg6[%dma_start3A_554, %dma_start3A_556, %dma_start3A_557] : memref<5x128x128xf32, #tpu.memory_space<vmem>> -> memref<1x128x128xf32, #tpu.memory_space<vmem>>
      %dma_start3A_559 = tpu.memref_squeeze %dma_start3A_558 : memref<1x128x128xf32, #tpu.memory_space<vmem>> -> memref<128x128xf32, #tpu.memory_space<vmem>>
      %dma_start3A_560 = arith.constant 0 : i32
      %dma_start3A_561 = tpu.memref_slice %arg4[%add3A_553, %dma_start3A_560] : memref<819200x128xf32, #tpu.memory_space<hbm>> -> memref<128x128xf32, #tpu.memory_space<hbm>>
      %dma_start3A_562 = tpu.memref_slice %arg8[%dma_start3A_555] : memref<5x!tpu.dma_semaphore, #tpu.memory_space<semaphore_mem>> -> memref<1x!tpu.dma_semaphore, #tpu.memory_space<semaphore_mem>>
      %dma_start3A_563 = tpu.memref_squeeze %dma_start3A_562 : memref<1x!tpu.dma_semaphore, #tpu.memory_space<semaphore_mem>> -> memref<!tpu.dma_semaphore, #tpu.memory_space<semaphore_mem>>
      %dma_start3A_564 = arith.constant 0 : i32
      %dma_start3A_565 = tpu.memref_slice %arg4[%add3A_553, %dma_start3A_564] : memref<819200x128xf32, #tpu.memory_space<hbm>> -> memref<128x128xf32, #tpu.memory_space<hbm>>
      %dma_start3A_566 = arith.constant 0 : i32
      %dma_start3A_567 = arith.constant 0 : i32
      %dma_start3A_568 = tpu.memref_slice %arg6[%dma_start3A_554, %dma_start3A_566, %dma_start3A_567] : memref<5x128x128xf32, #tpu.memory_space<vmem>> -> memref<1x128x128xf32, #tpu.memory_space<vmem>>
      %dma_start3A_569 = tpu.memref_squeeze %dma_start3A_568 : memref<1x128x128xf32, #tpu.memory_space<vmem>> -> memref<128x128xf32, #tpu.memory_space<vmem>>
      tpu.enqueue_dma source(%dma_start3A_569 : memref<128x128xf32, #tpu.memory_space<vmem>>) target(%dma_start3A_565 : memref<128x128xf32, #tpu.memory_space<hbm>>) target_semaphore(%dma_start3A_563 : memref<!tpu.dma_semaphore, #tpu.memory_space<semaphore_mem>>)
      %dma_wait3A_570 = arith.constant 3 : i32
      %dma_wait3A_571 = arith.constant 3 : i32
      %dma_wait3A_572 = arith.constant 0 : i32
      %dma_wait3A_573 = arith.constant 0 : i32
      %dma_wait3A_574 = tpu.memref_slice %arg6[%dma_wait3A_570, %dma_wait3A_572, %dma_wait3A_573] : memref<5x128x128xf32, #tpu.memory_space<vmem>> -> memref<1x128x128xf32, #tpu.memory_space<vmem>>
      %dma_wait3A_575 = tpu.memref_squeeze %dma_wait3A_574 : memref<1x128x128xf32, #tpu.memory_space<vmem>> -> memref<128x128xf32, #tpu.memory_space<vmem>>
      %dma_wait3A_576 = arith.constant 0 : i32
      %dma_wait3A_577 = tpu.memref_slice %arg4[%mul3A_2, %dma_wait3A_576] : memref<819200x128xf32, #tpu.memory_space<hbm>> -> memref<128x128xf32, #tpu.memory_space<hbm>>
      %dma_wait3A_578 = tpu.memref_slice %arg8[%dma_wait3A_571] : memref<5x!tpu.dma_semaphore, #tpu.memory_space<semaphore_mem>> -> memref<1x!tpu.dma_semaphore, #tpu.memory_space<semaphore_mem>>
      %dma_wait3A_579 = tpu.memref_squeeze %dma_wait3A_578 : memref<1x!tpu.dma_semaphore, #tpu.memory_space<semaphore_mem>> -> memref<!tpu.dma_semaphore, #tpu.memory_space<semaphore_mem>>
      %dma_wait3A_580 = arith.constant 0 : i32
      %dma_wait3A_581 = tpu.memref_slice %arg4[%mul3A_2, %dma_wait3A_580] : memref<819200x128xf32, #tpu.memory_space<hbm>> -> memref<128x128xf32, #tpu.memory_space<hbm>>
      %dma_wait3A_582 = arith.constant 0 : i32
      %dma_wait3A_583 = arith.constant 0 : i32
      %dma_wait3A_584 = tpu.memref_slice %arg6[%dma_wait3A_570, %dma_wait3A_582, %dma_wait3A_583] : memref<5x128x128xf32, #tpu.memory_space<vmem>> -> memref<1x128x128xf32, #tpu.memory_space<vmem>>
      %dma_wait3A_585 = tpu.memref_squeeze %dma_wait3A_584 : memref<1x128x128xf32, #tpu.memory_space<vmem>> -> memref<128x128xf32, #tpu.memory_space<vmem>>
      tpu.wait_dma2 semaphore(%dma_wait3A_579 : memref<!tpu.dma_semaphore, #tpu.memory_space<semaphore_mem>>) src(%dma_wait3A_585 : memref<128x128xf32, #tpu.memory_space<vmem>>) dst(%dma_wait3A_581 : memref<128x128xf32, #tpu.memory_space<hbm>>)
      %dma_start3A_586 = arith.constant 3 : i32
      %dma_start3A_587 = arith.constant 3 : i32
      %dma_start3A_588 = arith.constant 0 : i32
      %dma_start3A_589 = arith.constant 0 : i32
      %dma_start3A_590 = tpu.memref_slice %arg6[%dma_start3A_586, %dma_start3A_588, %dma_start3A_589] : memref<5x128x128xf32, #tpu.memory_space<vmem>> -> memref<1x128x128xf32, #tpu.memory_space<vmem>>
      %dma_start3A_591 = tpu.memref_squeeze %dma_start3A_590 : memref<1x128x128xf32, #tpu.memory_space<vmem>> -> memref<128x128xf32, #tpu.memory_space<vmem>>
      %dma_start3A_592 = arith.constant 0 : i32
      %dma_start3A_593 = tpu.memref_slice %arg5[%add3A_533, %dma_start3A_592] : memref<200x128xi32, #tpu.memory_space<vmem>> -> memref<1x128xi32, #tpu.memory_space<vmem>>
      %dma_start3A_594 = tpu.memref_squeeze %dma_start3A_593 : memref<1x128xi32, #tpu.memory_space<vmem>> -> memref<128xi32, #tpu.memory_space<vmem>>
      %dma_start3A_595 = arith.constant 0 : i32
      %dma_start3A_596 = arith.constant 0 : i32
      %dma_start3A_597 = tpu.memref_slice %arg2[%dma_start3A_595, %dma_start3A_596] : memref<100000x128xf32, #tpu.memory_space<hbm>> -> memref<100000x128xf32, #tpu.memory_space<hbm>>
      %dma_start3A_598 = tpu.memref_slice %arg7[%dma_start3A_587] : memref<5x!tpu.dma_semaphore, #tpu.memory_space<semaphore_mem>> -> memref<1x!tpu.dma_semaphore, #tpu.memory_space<semaphore_mem>>
      %dma_start3A_599 = tpu.memref_squeeze %dma_start3A_598 : memref<1x!tpu.dma_semaphore, #tpu.memory_space<semaphore_mem>> -> memref<!tpu.dma_semaphore, #tpu.memory_space<semaphore_mem>>
      tpu.enqueue_indirect_dma source(%dma_start3A_597 : memref<100000x128xf32, #tpu.memory_space<hbm>>) target(%dma_start3A_591 : memref<128x128xf32, #tpu.memory_space<vmem>>) offsets(%dma_start3A_594 : memref<128xi32, #tpu.memory_space<vmem>>) semaphore(%dma_start3A_599 : memref<!tpu.dma_semaphore, #tpu.memory_space<semaphore_mem>>)
      %add3A_600 = arith.constant 4 : i32
      %add3A_601 = arith.addi %mul3A_328, %add3A_600 : i32
      %dma_wait3A_602 = arith.constant 0 : i32
      %dma_wait3A_603 = arith.constant 2 : i32
      %dma_wait3A_604 = arith.constant 2 : i32
      %dma_wait3A_605 = arith.constant 0 : i32
      %dma_wait3A_606 = arith.constant 0 : i32
      %dma_wait3A_607 = tpu.memref_slice %arg6[%dma_wait3A_603, %dma_wait3A_605, %dma_wait3A_606] : memref<5x128x128xf32, #tpu.memory_space<vmem>> -> memref<1x128x128xf32, #tpu.memory_space<vmem>>
      %dma_wait3A_608 = tpu.memref_squeeze %dma_wait3A_607 : memref<1x128x128xf32, #tpu.memory_space<vmem>> -> memref<128x128xf32, #tpu.memory_space<vmem>>
      %dma_wait3A_609 = arith.constant 0 : i32
      %dma_wait3A_610 = tpu.memref_slice %arg5[%dma_wait3A_602, %dma_wait3A_609] : memref<200x128xi32, #tpu.memory_space<vmem>> -> memref<1x128xi32, #tpu.memory_space<vmem>>
      %dma_wait3A_611 = tpu.memref_squeeze %dma_wait3A_610 : memref<1x128xi32, #tpu.memory_space<vmem>> -> memref<128xi32, #tpu.memory_space<vmem>>
      %dma_wait3A_612 = arith.constant 0 : i32
      %dma_wait3A_613 = arith.constant 0 : i32
      %dma_wait3A_614 = tpu.memref_slice %arg2[%dma_wait3A_612, %dma_wait3A_613] : memref<100000x128xf32, #tpu.memory_space<hbm>> -> memref<100000x128xf32, #tpu.memory_space<hbm>>
      %dma_wait3A_615 = tpu.memref_slice %arg7[%dma_wait3A_604] : memref<5x!tpu.dma_semaphore, #tpu.memory_space<semaphore_mem>> -> memref<1x!tpu.dma_semaphore, #tpu.memory_space<semaphore_mem>>
      %dma_wait3A_616 = tpu.memref_squeeze %dma_wait3A_615 : memref<1x!tpu.dma_semaphore, #tpu.memory_space<semaphore_mem>> -> memref<!tpu.dma_semaphore, #tpu.memory_space<semaphore_mem>>
      tpu.wait_indirect_dma semaphore(%dma_wait3A_616 : memref<!tpu.dma_semaphore, #tpu.memory_space<semaphore_mem>>) src(%dma_wait3A_614 : memref<100000x128xf32, #tpu.memory_space<hbm>>) dst(%dma_wait3A_608 : memref<128x128xf32, #tpu.memory_space<vmem>>)
      %sub3A_617 = arith.constant 3 : i32
      %sub3A_618 = arith.subi %add3A_601, %sub3A_617 : i32
      %mul3A_619 = arith.constant 128 : i32
      %mul3A_620 = arith.muli %sub3A_618, %mul3A_619 : i32
      %add3A_621 = arith.addi %mul3A_2, %mul3A_620 : i32
      %dma_start3A_622 = arith.constant 1 : i32
      %dma_start3A_623 = arith.constant 1 : i32
      %dma_start3A_624 = arith.constant 0 : i32
      %dma_start3A_625 = arith.constant 0 : i32
      %dma_start3A_626 = tpu.memref_slice %arg6[%dma_start3A_622, %dma_start3A_624, %dma_start3A_625] : memref<5x128x128xf32, #tpu.memory_space<vmem>> -> memref<1x128x128xf32, #tpu.memory_space<vmem>>
      %dma_start3A_627 = tpu.memref_squeeze %dma_start3A_626 : memref<1x128x128xf32, #tpu.memory_space<vmem>> -> memref<128x128xf32, #tpu.memory_space<vmem>>
      %dma_start3A_628 = arith.constant 0 : i32
      %dma_start3A_629 = tpu.memref_slice %arg4[%add3A_621, %dma_start3A_628] : memref<819200x128xf32, #tpu.memory_space<hbm>> -> memref<128x128xf32, #tpu.memory_space<hbm>>
      %dma_start3A_630 = tpu.memref_slice %arg8[%dma_start3A_623] : memref<5x!tpu.dma_semaphore, #tpu.memory_space<semaphore_mem>> -> memref<1x!tpu.dma_semaphore, #tpu.memory_space<semaphore_mem>>
      %dma_start3A_631 = tpu.memref_squeeze %dma_start3A_630 : memref<1x!tpu.dma_semaphore, #tpu.memory_space<semaphore_mem>> -> memref<!tpu.dma_semaphore, #tpu.memory_space<semaphore_mem>>
      %dma_start3A_632 = arith.constant 0 : i32
      %dma_start3A_633 = tpu.memref_slice %arg4[%add3A_621, %dma_start3A_632] : memref<819200x128xf32, #tpu.memory_space<hbm>> -> memref<128x128xf32, #tpu.memory_space<hbm>>
      %dma_start3A_634 = arith.constant 0 : i32
      %dma_start3A_635 = arith.constant 0 : i32
      %dma_start3A_636 = tpu.memref_slice %arg6[%dma_start3A_622, %dma_start3A_634, %dma_start3A_635] : memref<5x128x128xf32, #tpu.memory_space<vmem>> -> memref<1x128x128xf32, #tpu.memory_space<vmem>>
      %dma_start3A_637 = tpu.memref_squeeze %dma_start3A_636 : memref<1x128x128xf32, #tpu.memory_space<vmem>> -> memref<128x128xf32, #tpu.memory_space<vmem>>
      tpu.enqueue_dma source(%dma_start3A_637 : memref<128x128xf32, #tpu.memory_space<vmem>>) target(%dma_start3A_633 : memref<128x128xf32, #tpu.memory_space<hbm>>) target_semaphore(%dma_start3A_631 : memref<!tpu.dma_semaphore, #tpu.memory_space<semaphore_mem>>)
      %dma_wait3A_638 = arith.constant 4 : i32
      %dma_wait3A_639 = arith.constant 4 : i32
      %dma_wait3A_640 = arith.constant 0 : i32
      %dma_wait3A_641 = arith.constant 0 : i32
      %dma_wait3A_642 = tpu.memref_slice %arg6[%dma_wait3A_638, %dma_wait3A_640, %dma_wait3A_641] : memref<5x128x128xf32, #tpu.memory_space<vmem>> -> memref<1x128x128xf32, #tpu.memory_space<vmem>>
      %dma_wait3A_643 = tpu.memref_squeeze %dma_wait3A_642 : memref<1x128x128xf32, #tpu.memory_space<vmem>> -> memref<128x128xf32, #tpu.memory_space<vmem>>
      %dma_wait3A_644 = arith.constant 0 : i32
      %dma_wait3A_645 = tpu.memref_slice %arg4[%mul3A_2, %dma_wait3A_644] : memref<819200x128xf32, #tpu.memory_space<hbm>> -> memref<128x128xf32, #tpu.memory_space<hbm>>
      %dma_wait3A_646 = tpu.memref_slice %arg8[%dma_wait3A_639] : memref<5x!tpu.dma_semaphore, #tpu.memory_space<semaphore_mem>> -> memref<1x!tpu.dma_semaphore, #tpu.memory_space<semaphore_mem>>
      %dma_wait3A_647 = tpu.memref_squeeze %dma_wait3A_646 : memref<1x!tpu.dma_semaphore, #tpu.memory_space<semaphore_mem>> -> memref<!tpu.dma_semaphore, #tpu.memory_space<semaphore_mem>>
      %dma_wait3A_648 = arith.constant 0 : i32
      %dma_wait3A_649 = tpu.memref_slice %arg4[%mul3A_2, %dma_wait3A_648] : memref<819200x128xf32, #tpu.memory_space<hbm>> -> memref<128x128xf32, #tpu.memory_space<hbm>>
      %dma_wait3A_650 = arith.constant 0 : i32
      %dma_wait3A_651 = arith.constant 0 : i32
      %dma_wait3A_652 = tpu.memref_slice %arg6[%dma_wait3A_638, %dma_wait3A_650, %dma_wait3A_651] : memref<5x128x128xf32, #tpu.memory_space<vmem>> -> memref<1x128x128xf32, #tpu.memory_space<vmem>>
      %dma_wait3A_653 = tpu.memref_squeeze %dma_wait3A_652 : memref<1x128x128xf32, #tpu.memory_space<vmem>> -> memref<128x128xf32, #tpu.memory_space<vmem>>
      tpu.wait_dma2 semaphore(%dma_wait3A_647 : memref<!tpu.dma_semaphore, #tpu.memory_space<semaphore_mem>>) src(%dma_wait3A_653 : memref<128x128xf32, #tpu.memory_space<vmem>>) dst(%dma_wait3A_649 : memref<128x128xf32, #tpu.memory_space<hbm>>)
      %dma_start3A_654 = arith.constant 4 : i32
      %dma_start3A_655 = arith.constant 4 : i32
      %dma_start3A_656 = arith.constant 0 : i32
      %dma_start3A_657 = arith.constant 0 : i32
      %dma_start3A_658 = tpu.memref_slice %arg6[%dma_start3A_654, %dma_start3A_656, %dma_start3A_657] : memref<5x128x128xf32, #tpu.memory_space<vmem>> -> memref<1x128x128xf32, #tpu.memory_space<vmem>>
      %dma_start3A_659 = tpu.memref_squeeze %dma_start3A_658 : memref<1x128x128xf32, #tpu.memory_space<vmem>> -> memref<128x128xf32, #tpu.memory_space<vmem>>
      %dma_start3A_660 = arith.constant 0 : i32
      %dma_start3A_661 = tpu.memref_slice %arg5[%add3A_601, %dma_start3A_660] : memref<200x128xi32, #tpu.memory_space<vmem>> -> memref<1x128xi32, #tpu.memory_space<vmem>>
      %dma_start3A_662 = tpu.memref_squeeze %dma_start3A_661 : memref<1x128xi32, #tpu.memory_space<vmem>> -> memref<128xi32, #tpu.memory_space<vmem>>
      %dma_start3A_663 = arith.constant 0 : i32
      %dma_start3A_664 = arith.constant 0 : i32
      %dma_start3A_665 = tpu.memref_slice %arg2[%dma_start3A_663, %dma_start3A_664] : memref<100000x128xf32, #tpu.memory_space<hbm>> -> memref<100000x128xf32, #tpu.memory_space<hbm>>
      %dma_start3A_666 = tpu.memref_slice %arg7[%dma_start3A_655] : memref<5x!tpu.dma_semaphore, #tpu.memory_space<semaphore_mem>> -> memref<1x!tpu.dma_semaphore, #tpu.memory_space<semaphore_mem>>
      %dma_start3A_667 = tpu.memref_squeeze %dma_start3A_666 : memref<1x!tpu.dma_semaphore, #tpu.memory_space<semaphore_mem>> -> memref<!tpu.dma_semaphore, #tpu.memory_space<semaphore_mem>>
      tpu.enqueue_indirect_dma source(%dma_start3A_665 : memref<100000x128xf32, #tpu.memory_space<hbm>>) target(%dma_start3A_659 : memref<128x128xf32, #tpu.memory_space<vmem>>) offsets(%dma_start3A_662 : memref<128xi32, #tpu.memory_space<vmem>>) semaphore(%dma_start3A_667 : memref<!tpu.dma_semaphore, #tpu.memory_space<semaphore_mem>>)
    }
    %scan3A_161 = arith.constant 39 : i32
    %dma_wait3A_162 = arith.constant 0 : i32
    %dma_wait3A_163 = arith.constant 3 : i32
    %dma_wait3A_164 = arith.constant 3 : i32
    %dma_wait3A_165 = arith.constant 0 : i32
    %dma_wait3A_166 = arith.constant 0 : i32
    %dma_wait3A_167 = tpu.memref_slice %arg6[%dma_wait3A_163, %dma_wait3A_165, %dma_wait3A_166] : memref<5x128x128xf32, #tpu.memory_space<vmem>> -> memref<1x128x128xf32, #tpu.memory_space<vmem>>
    %dma_wait3A_168 = tpu.memref_squeeze %dma_wait3A_167 : memref<1x128x128xf32, #tpu.memory_space<vmem>> -> memref<128x128xf32, #tpu.memory_space<vmem>>
    %dma_wait3A_169 = arith.constant 0 : i32
    %dma_wait3A_170 = tpu.memref_slice %arg5[%dma_wait3A_162, %dma_wait3A_169] : memref<200x128xi32, #tpu.memory_space<vmem>> -> memref<1x128xi32, #tpu.memory_space<vmem>>
    %dma_wait3A_171 = tpu.memref_squeeze %dma_wait3A_170 : memref<1x128xi32, #tpu.memory_space<vmem>> -> memref<128xi32, #tpu.memory_space<vmem>>
    %dma_wait3A_172 = arith.constant 0 : i32
    %dma_wait3A_173 = arith.constant 0 : i32
    %dma_wait3A_174 = tpu.memref_slice %arg2[%dma_wait3A_172, %dma_wait3A_173] : memref<100000x128xf32, #tpu.memory_space<hbm>> -> memref<100000x128xf32, #tpu.memory_space<hbm>>
    %dma_wait3A_175 = tpu.memref_slice %arg7[%dma_wait3A_164] : memref<5x!tpu.dma_semaphore, #tpu.memory_space<semaphore_mem>> -> memref<1x!tpu.dma_semaphore, #tpu.memory_space<semaphore_mem>>
    %dma_wait3A_176 = tpu.memref_squeeze %dma_wait3A_175 : memref<1x!tpu.dma_semaphore, #tpu.memory_space<semaphore_mem>> -> memref<!tpu.dma_semaphore, #tpu.memory_space<semaphore_mem>>
    tpu.wait_indirect_dma semaphore(%dma_wait3A_176 : memref<!tpu.dma_semaphore, #tpu.memory_space<semaphore_mem>>) src(%dma_wait3A_174 : memref<100000x128xf32, #tpu.memory_space<hbm>>) dst(%dma_wait3A_168 : memref<128x128xf32, #tpu.memory_space<vmem>>)
    %add3A_177 = arith.constant 25216 : i32
    %add3A_178 = arith.addi %mul3A_2, %add3A_177 : i32
    %dma_start3A_179 = arith.constant 2 : i32
    %dma_start3A_180 = arith.constant 2 : i32
    %dma_start3A_181 = arith.constant 0 : i32
    %dma_start3A_182 = arith.constant 0 : i32
    %dma_start3A_183 = tpu.memref_slice %arg6[%dma_start3A_179, %dma_start3A_181, %dma_start3A_182] : memref<5x128x128xf32, #tpu.memory_space<vmem>> -> memref<1x128x128xf32, #tpu.memory_space<vmem>>
    %dma_start3A_184 = tpu.memref_squeeze %dma_start3A_183 : memref<1x128x128xf32, #tpu.memory_space<vmem>> -> memref<128x128xf32, #tpu.memory_space<vmem>>
    %dma_start3A_185 = arith.constant 0 : i32
    %dma_start3A_186 = tpu.memref_slice %arg4[%add3A_178, %dma_start3A_185] : memref<819200x128xf32, #tpu.memory_space<hbm>> -> memref<128x128xf32, #tpu.memory_space<hbm>>
    %dma_start3A_187 = tpu.memref_slice %arg8[%dma_start3A_180] : memref<5x!tpu.dma_semaphore, #tpu.memory_space<semaphore_mem>> -> memref<1x!tpu.dma_semaphore, #tpu.memory_space<semaphore_mem>>
    %dma_start3A_188 = tpu.memref_squeeze %dma_start3A_187 : memref<1x!tpu.dma_semaphore, #tpu.memory_space<semaphore_mem>> -> memref<!tpu.dma_semaphore, #tpu.memory_space<semaphore_mem>>
    %dma_start3A_189 = arith.constant 0 : i32
    %dma_start3A_190 = tpu.memref_slice %arg4[%add3A_178, %dma_start3A_189] : memref<819200x128xf32, #tpu.memory_space<hbm>> -> memref<128x128xf32, #tpu.memory_space<hbm>>
    %dma_start3A_191 = arith.constant 0 : i32
    %dma_start3A_192 = arith.constant 0 : i32
    %dma_start3A_193 = tpu.memref_slice %arg6[%dma_start3A_179, %dma_start3A_191, %dma_start3A_192] : memref<5x128x128xf32, #tpu.memory_space<vmem>> -> memref<1x128x128xf32, #tpu.memory_space<vmem>>
    %dma_start3A_194 = tpu.memref_squeeze %dma_start3A_193 : memref<1x128x128xf32, #tpu.memory_space<vmem>> -> memref<128x128xf32, #tpu.memory_space<vmem>>
    tpu.enqueue_dma source(%dma_start3A_194 : memref<128x128xf32, #tpu.memory_space<vmem>>) target(%dma_start3A_190 : memref<128x128xf32, #tpu.memory_space<hbm>>) target_semaphore(%dma_start3A_188 : memref<!tpu.dma_semaphore, #tpu.memory_space<semaphore_mem>>)
    %dma_wait3A_195 = arith.constant 0 : i32
    %dma_wait3A_196 = arith.constant 4 : i32
    %dma_wait3A_197 = arith.constant 4 : i32
    %dma_wait3A_198 = arith.constant 0 : i32
    %dma_wait3A_199 = arith.constant 0 : i32
    %dma_wait3A_200 = tpu.memref_slice %arg6[%dma_wait3A_196, %dma_wait3A_198, %dma_wait3A_199] : memref<5x128x128xf32, #tpu.memory_space<vmem>> -> memref<1x128x128xf32, #tpu.memory_space<vmem>>
    %dma_wait3A_201 = tpu.memref_squeeze %dma_wait3A_200 : memref<1x128x128xf32, #tpu.memory_space<vmem>> -> memref<128x128xf32, #tpu.memory_space<vmem>>
    %dma_wait3A_202 = arith.constant 0 : i32
    %dma_wait3A_203 = tpu.memref_slice %arg5[%dma_wait3A_195, %dma_wait3A_202] : memref<200x128xi32, #tpu.memory_space<vmem>> -> memref<1x128xi32, #tpu.memory_space<vmem>>
    %dma_wait3A_204 = tpu.memref_squeeze %dma_wait3A_203 : memref<1x128xi32, #tpu.memory_space<vmem>> -> memref<128xi32, #tpu.memory_space<vmem>>
    %dma_wait3A_205 = arith.constant 0 : i32
    %dma_wait3A_206 = arith.constant 0 : i32
    %dma_wait3A_207 = tpu.memref_slice %arg2[%dma_wait3A_205, %dma_wait3A_206] : memref<100000x128xf32, #tpu.memory_space<hbm>> -> memref<100000x128xf32, #tpu.memory_space<hbm>>
    %dma_wait3A_208 = tpu.memref_slice %arg7[%dma_wait3A_197] : memref<5x!tpu.dma_semaphore, #tpu.memory_space<semaphore_mem>> -> memref<1x!tpu.dma_semaphore, #tpu.memory_space<semaphore_mem>>
    %dma_wait3A_209 = tpu.memref_squeeze %dma_wait3A_208 : memref<1x!tpu.dma_semaphore, #tpu.memory_space<semaphore_mem>> -> memref<!tpu.dma_semaphore, #tpu.memory_space<semaphore_mem>>
    tpu.wait_indirect_dma semaphore(%dma_wait3A_209 : memref<!tpu.dma_semaphore, #tpu.memory_space<semaphore_mem>>) src(%dma_wait3A_207 : memref<100000x128xf32, #tpu.memory_space<hbm>>) dst(%dma_wait3A_201 : memref<128x128xf32, #tpu.memory_space<vmem>>)
    %add3A_210 = arith.constant 25344 : i32
    %add3A_211 = arith.addi %mul3A_2, %add3A_210 : i32
    %dma_start3A_212 = arith.constant 3 : i32
    %dma_start3A_213 = arith.constant 3 : i32
    %dma_start3A_214 = arith.constant 0 : i32
    %dma_start3A_215 = arith.constant 0 : i32
    %dma_start3A_216 = tpu.memref_slice %arg6[%dma_start3A_212, %dma_start3A_214, %dma_start3A_215] : memref<5x128x128xf32, #tpu.memory_space<vmem>> -> memref<1x128x128xf32, #tpu.memory_space<vmem>>
    %dma_start3A_217 = tpu.memref_squeeze %dma_start3A_216 : memref<1x128x128xf32, #tpu.memory_space<vmem>> -> memref<128x128xf32, #tpu.memory_space<vmem>>
    %dma_start3A_218 = arith.constant 0 : i32
    %dma_start3A_219 = tpu.memref_slice %arg4[%add3A_211, %dma_start3A_218] : memref<819200x128xf32, #tpu.memory_space<hbm>> -> memref<128x128xf32, #tpu.memory_space<hbm>>
    %dma_start3A_220 = tpu.memref_slice %arg8[%dma_start3A_213] : memref<5x!tpu.dma_semaphore, #tpu.memory_space<semaphore_mem>> -> memref<1x!tpu.dma_semaphore, #tpu.memory_space<semaphore_mem>>
    %dma_start3A_221 = tpu.memref_squeeze %dma_start3A_220 : memref<1x!tpu.dma_semaphore, #tpu.memory_space<semaphore_mem>> -> memref<!tpu.dma_semaphore, #tpu.memory_space<semaphore_mem>>
    %dma_start3A_222 = arith.constant 0 : i32
    %dma_start3A_223 = tpu.memref_slice %arg4[%add3A_211, %dma_start3A_222] : memref<819200x128xf32, #tpu.memory_space<hbm>> -> memref<128x128xf32, #tpu.memory_space<hbm>>
    %dma_start3A_224 = arith.constant 0 : i32
    %dma_start3A_225 = arith.constant 0 : i32
    %dma_start3A_226 = tpu.memref_slice %arg6[%dma_start3A_212, %dma_start3A_224, %dma_start3A_225] : memref<5x128x128xf32, #tpu.memory_space<vmem>> -> memref<1x128x128xf32, #tpu.memory_space<vmem>>
    %dma_start3A_227 = tpu.memref_squeeze %dma_start3A_226 : memref<1x128x128xf32, #tpu.memory_space<vmem>> -> memref<128x128xf32, #tpu.memory_space<vmem>>
    tpu.enqueue_dma source(%dma_start3A_227 : memref<128x128xf32, #tpu.memory_space<vmem>>) target(%dma_start3A_223 : memref<128x128xf32, #tpu.memory_space<hbm>>) target_semaphore(%dma_start3A_221 : memref<!tpu.dma_semaphore, #tpu.memory_space<semaphore_mem>>)
    %add3A_228 = arith.constant 25472 : i32
    %add3A_229 = arith.addi %mul3A_2, %add3A_228 : i32
    %dma_start3A_230 = arith.constant 4 : i32
    %dma_start3A_231 = arith.constant 4 : i32
    %dma_start3A_232 = arith.constant 0 : i32
    %dma_start3A_233 = arith.constant 0 : i32
    %dma_start3A_234 = tpu.memref_slice %arg6[%dma_start3A_230, %dma_start3A_232, %dma_start3A_233] : memref<5x128x128xf32, #tpu.memory_space<vmem>> -> memref<1x128x128xf32, #tpu.memory_space<vmem>>
    %dma_start3A_235 = tpu.memref_squeeze %dma_start3A_234 : memref<1x128x128xf32, #tpu.memory_space<vmem>> -> memref<128x128xf32, #tpu.memory_space<vmem>>
    %dma_start3A_236 = arith.constant 0 : i32
    %dma_start3A_237 = tpu.memref_slice %arg4[%add3A_229, %dma_start3A_236] : memref<819200x128xf32, #tpu.memory_space<hbm>> -> memref<128x128xf32, #tpu.memory_space<hbm>>
    %dma_start3A_238 = tpu.memref_slice %arg8[%dma_start3A_231] : memref<5x!tpu.dma_semaphore, #tpu.memory_space<semaphore_mem>> -> memref<1x!tpu.dma_semaphore, #tpu.memory_space<semaphore_mem>>
    %dma_start3A_239 = tpu.memref_squeeze %dma_start3A_238 : memref<1x!tpu.dma_semaphore, #tpu.memory_space<semaphore_mem>> -> memref<!tpu.dma_semaphore, #tpu.memory_space<semaphore_mem>>
    %dma_start3A_240 = arith.constant 0 : i32
    %dma_start3A_241 = tpu.memref_slice %arg4[%add3A_229, %dma_start3A_240] : memref<819200x128xf32, #tpu.memory_space<hbm>> -> memref<128x128xf32, #tpu.memory_space<hbm>>
    %dma_start3A_242 = arith.constant 0 : i32
    %dma_start3A_243 = arith.constant 0 : i32
    %dma_start3A_244 = tpu.memref_slice %arg6[%dma_start3A_230, %dma_start3A_242, %dma_start3A_243] : memref<5x128x128xf32, #tpu.memory_space<vmem>> -> memref<1x128x128xf32, #tpu.memory_space<vmem>>
    %dma_start3A_245 = tpu.memref_squeeze %dma_start3A_244 : memref<1x128x128xf32, #tpu.memory_space<vmem>> -> memref<128x128xf32, #tpu.memory_space<vmem>>
    tpu.enqueue_dma source(%dma_start3A_245 : memref<128x128xf32, #tpu.memory_space<vmem>>) target(%dma_start3A_241 : memref<128x128xf32, #tpu.memory_space<hbm>>) target_semaphore(%dma_start3A_239 : memref<!tpu.dma_semaphore, #tpu.memory_space<semaphore_mem>>)
    %dma_wait3A_246 = arith.constant 0 : i32
    %dma_wait3A_247 = arith.constant 0 : i32
    %dma_wait3A_248 = arith.constant 0 : i32
    %dma_wait3A_249 = arith.constant 0 : i32
    %dma_wait3A_250 = tpu.memref_slice %arg6[%dma_wait3A_246, %dma_wait3A_248, %dma_wait3A_249] : memref<5x128x128xf32, #tpu.memory_space<vmem>> -> memref<1x128x128xf32, #tpu.memory_space<vmem>>
    %dma_wait3A_251 = tpu.memref_squeeze %dma_wait3A_250 : memref<1x128x128xf32, #tpu.memory_space<vmem>> -> memref<128x128xf32, #tpu.memory_space<vmem>>
    %dma_wait3A_252 = arith.constant 0 : i32
    %dma_wait3A_253 = tpu.memref_slice %arg4[%mul3A_2, %dma_wait3A_252] : memref<819200x128xf32, #tpu.memory_space<hbm>> -> memref<128x128xf32, #tpu.memory_space<hbm>>
    %dma_wait3A_254 = tpu.memref_slice %arg8[%dma_wait3A_247] : memref<5x!tpu.dma_semaphore, #tpu.memory_space<semaphore_mem>> -> memref<1x!tpu.dma_semaphore, #tpu.memory_space<semaphore_mem>>
    %dma_wait3A_255 = tpu.memref_squeeze %dma_wait3A_254 : memref<1x!tpu.dma_semaphore, #tpu.memory_space<semaphore_mem>> -> memref<!tpu.dma_semaphore, #tpu.memory_space<semaphore_mem>>
    %dma_wait3A_256 = arith.constant 0 : i32
    %dma_wait3A_257 = tpu.memref_slice %arg4[%mul3A_2, %dma_wait3A_256] : memref<819200x128xf32, #tpu.memory_space<hbm>> -> memref<128x128xf32, #tpu.memory_space<hbm>>
    %dma_wait3A_258 = arith.constant 0 : i32
    %dma_wait3A_259 = arith.constant 0 : i32
    %dma_wait3A_260 = tpu.memref_slice %arg6[%dma_wait3A_246, %dma_wait3A_258, %dma_wait3A_259] : memref<5x128x128xf32, #tpu.memory_space<vmem>> -> memref<1x128x128xf32, #tpu.memory_space<vmem>>
    %dma_wait3A_261 = tpu.memref_squeeze %dma_wait3A_260 : memref<1x128x128xf32, #tpu.memory_space<vmem>> -> memref<128x128xf32, #tpu.memory_space<vmem>>
    tpu.wait_dma2 semaphore(%dma_wait3A_255 : memref<!tpu.dma_semaphore, #tpu.memory_space<semaphore_mem>>) src(%dma_wait3A_261 : memref<128x128xf32, #tpu.memory_space<vmem>>) dst(%dma_wait3A_257 : memref<128x128xf32, #tpu.memory_space<hbm>>)
    %dma_wait3A_262 = arith.constant 1 : i32
    %dma_wait3A_263 = arith.constant 1 : i32
    %dma_wait3A_264 = arith.constant 0 : i32
    %dma_wait3A_265 = arith.constant 0 : i32
    %dma_wait3A_266 = tpu.memref_slice %arg6[%dma_wait3A_262, %dma_wait3A_264, %dma_wait3A_265] : memref<5x128x128xf32, #tpu.memory_space<vmem>> -> memref<1x128x128xf32, #tpu.memory_space<vmem>>
    %dma_wait3A_267 = tpu.memref_squeeze %dma_wait3A_266 : memref<1x128x128xf32, #tpu.memory_space<vmem>> -> memref<128x128xf32, #tpu.memory_space<vmem>>
    %dma_wait3A_268 = arith.constant 0 : i32
    %dma_wait3A_269 = tpu.memref_slice %arg4[%mul3A_2, %dma_wait3A_268] : memref<819200x128xf32, #tpu.memory_space<hbm>> -> memref<128x128xf32, #tpu.memory_space<hbm>>
    %dma_wait3A_270 = tpu.memref_slice %arg8[%dma_wait3A_263] : memref<5x!tpu.dma_semaphore, #tpu.memory_space<semaphore_mem>> -> memref<1x!tpu.dma_semaphore, #tpu.memory_space<semaphore_mem>>
    %dma_wait3A_271 = tpu.memref_squeeze %dma_wait3A_270 : memref<1x!tpu.dma_semaphore, #tpu.memory_space<semaphore_mem>> -> memref<!tpu.dma_semaphore, #tpu.memory_space<semaphore_mem>>
    %dma_wait3A_272 = arith.constant 0 : i32
    %dma_wait3A_273 = tpu.memref_slice %arg4[%mul3A_2, %dma_wait3A_272] : memref<819200x128xf32, #tpu.memory_space<hbm>> -> memref<128x128xf32, #tpu.memory_space<hbm>>
    %dma_wait3A_274 = arith.constant 0 : i32
    %dma_wait3A_275 = arith.constant 0 : i32
    %dma_wait3A_276 = tpu.memref_slice %arg6[%dma_wait3A_262, %dma_wait3A_274, %dma_wait3A_275] : memref<5x128x128xf32, #tpu.memory_space<vmem>> -> memref<1x128x128xf32, #tpu.memory_space<vmem>>
    %dma_wait3A_277 = tpu.memref_squeeze %dma_wait3A_276 : memref<1x128x128xf32, #tpu.memory_space<vmem>> -> memref<128x128xf32, #tpu.memory_space<vmem>>
    tpu.wait_dma2 semaphore(%dma_wait3A_271 : memref<!tpu.dma_semaphore, #tpu.memory_space<semaphore_mem>>) src(%dma_wait3A_277 : memref<128x128xf32, #tpu.memory_space<vmem>>) dst(%dma_wait3A_273 : memref<128x128xf32, #tpu.memory_space<hbm>>)
    %dma_wait3A_278 = arith.constant 2 : i32
    %dma_wait3A_279 = arith.constant 2 : i32
    %dma_wait3A_280 = arith.constant 0 : i32
    %dma_wait3A_281 = arith.constant 0 : i32
    %dma_wait3A_282 = tpu.memref_slice %arg6[%dma_wait3A_278, %dma_wait3A_280, %dma_wait3A_281] : memref<5x128x128xf32, #tpu.memory_space<vmem>> -> memref<1x128x128xf32, #tpu.memory_space<vmem>>
    %dma_wait3A_283 = tpu.memref_squeeze %dma_wait3A_282 : memref<1x128x128xf32, #tpu.memory_space<vmem>> -> memref<128x128xf32, #tpu.memory_space<vmem>>
    %dma_wait3A_284 = arith.constant 0 : i32
    %dma_wait3A_285 = tpu.memref_slice %arg4[%mul3A_2, %dma_wait3A_284] : memref<819200x128xf32, #tpu.memory_space<hbm>> -> memref<128x128xf32, #tpu.memory_space<hbm>>
    %dma_wait3A_286 = tpu.memref_slice %arg8[%dma_wait3A_279] : memref<5x!tpu.dma_semaphore, #tpu.memory_space<semaphore_mem>> -> memref<1x!tpu.dma_semaphore, #tpu.memory_space<semaphore_mem>>
    %dma_wait3A_287 = tpu.memref_squeeze %dma_wait3A_286 : memref<1x!tpu.dma_semaphore, #tpu.memory_space<semaphore_mem>> -> memref<!tpu.dma_semaphore, #tpu.memory_space<semaphore_mem>>
    %dma_wait3A_288 = arith.constant 0 : i32
    %dma_wait3A_289 = tpu.memref_slice %arg4[%mul3A_2, %dma_wait3A_288] : memref<819200x128xf32, #tpu.memory_space<hbm>> -> memref<128x128xf32, #tpu.memory_space<hbm>>
    %dma_wait3A_290 = arith.constant 0 : i32
    %dma_wait3A_291 = arith.constant 0 : i32
    %dma_wait3A_292 = tpu.memref_slice %arg6[%dma_wait3A_278, %dma_wait3A_290, %dma_wait3A_291] : memref<5x128x128xf32, #tpu.memory_space<vmem>> -> memref<1x128x128xf32, #tpu.memory_space<vmem>>
    %dma_wait3A_293 = tpu.memref_squeeze %dma_wait3A_292 : memref<1x128x128xf32, #tpu.memory_space<vmem>> -> memref<128x128xf32, #tpu.memory_space<vmem>>
    tpu.wait_dma2 semaphore(%dma_wait3A_287 : memref<!tpu.dma_semaphore, #tpu.memory_space<semaphore_mem>>) src(%dma_wait3A_293 : memref<128x128xf32, #tpu.memory_space<vmem>>) dst(%dma_wait3A_289 : memref<128x128xf32, #tpu.memory_space<hbm>>)
    %dma_wait3A_294 = arith.constant 3 : i32
    %dma_wait3A_295 = arith.constant 3 : i32
    %dma_wait3A_296 = arith.constant 0 : i32
    %dma_wait3A_297 = arith.constant 0 : i32
    %dma_wait3A_298 = tpu.memref_slice %arg6[%dma_wait3A_294, %dma_wait3A_296, %dma_wait3A_297] : memref<5x128x128xf32, #tpu.memory_space<vmem>> -> memref<1x128x128xf32, #tpu.memory_space<vmem>>
    %dma_wait3A_299 = tpu.memref_squeeze %dma_wait3A_298 : memref<1x128x128xf32, #tpu.memory_space<vmem>> -> memref<128x128xf32, #tpu.memory_space<vmem>>
    %dma_wait3A_300 = arith.constant 0 : i32
    %dma_wait3A_301 = tpu.memref_slice %arg4[%mul3A_2, %dma_wait3A_300] : memref<819200x128xf32, #tpu.memory_space<hbm>> -> memref<128x128xf32, #tpu.memory_space<hbm>>
    %dma_wait3A_302 = tpu.memref_slice %arg8[%dma_wait3A_295] : memref<5x!tpu.dma_semaphore, #tpu.memory_space<semaphore_mem>> -> memref<1x!tpu.dma_semaphore, #tpu.memory_space<semaphore_mem>>
    %dma_wait3A_303 = tpu.memref_squeeze %dma_wait3A_302 : memref<1x!tpu.dma_semaphore, #tpu.memory_space<semaphore_mem>> -> memref<!tpu.dma_semaphore, #tpu.memory_space<semaphore_mem>>
    %dma_wait3A_304 = arith.constant 0 : i32
    %dma_wait3A_305 = tpu.memref_slice %arg4[%mul3A_2, %dma_wait3A_304] : memref<819200x128xf32, #tpu.memory_space<hbm>> -> memref<128x128xf32, #tpu.memory_space<hbm>>
    %dma_wait3A_306 = arith.constant 0 : i32
    %dma_wait3A_307 = arith.constant 0 : i32
    %dma_wait3A_308 = tpu.memref_slice %arg6[%dma_wait3A_294, %dma_wait3A_306, %dma_wait3A_307] : memref<5x128x128xf32, #tpu.memory_space<vmem>> -> memref<1x128x128xf32, #tpu.memory_space<vmem>>
    %dma_wait3A_309 = tpu.memref_squeeze %dma_wait3A_308 : memref<1x128x128xf32, #tpu.memory_space<vmem>> -> memref<128x128xf32, #tpu.memory_space<vmem>>
    tpu.wait_dma2 semaphore(%dma_wait3A_303 : memref<!tpu.dma_semaphore, #tpu.memory_space<semaphore_mem>>) src(%dma_wait3A_309 : memref<128x128xf32, #tpu.memory_space<vmem>>) dst(%dma_wait3A_305 : memref<128x128xf32, #tpu.memory_space<hbm>>)
    %dma_wait3A_310 = arith.constant 4 : i32
    %dma_wait3A_311 = arith.constant 4 : i32
    %dma_wait3A_312 = arith.constant 0 : i32
    %dma_wait3A_313 = arith.constant 0 : i32
    %dma_wait3A_314 = tpu.memref_slice %arg6[%dma_wait3A_310, %dma_wait3A_312, %dma_wait3A_313] : memref<5x128x128xf32, #tpu.memory_space<vmem>> -> memref<1x128x128xf32, #tpu.memory_space<vmem>>
    %dma_wait3A_315 = tpu.memref_squeeze %dma_wait3A_314 : memref<1x128x128xf32, #tpu.memory_space<vmem>> -> memref<128x128xf32, #tpu.memory_space<vmem>>
    %dma_wait3A_316 = arith.constant 0 : i32
    %dma_wait3A_317 = tpu.memref_slice %arg4[%mul3A_2, %dma_wait3A_316] : memref<819200x128xf32, #tpu.memory_space<hbm>> -> memref<128x128xf32, #tpu.memory_space<hbm>>
    %dma_wait3A_318 = tpu.memref_slice %arg8[%dma_wait3A_311] : memref<5x!tpu.dma_semaphore, #tpu.memory_space<semaphore_mem>> -> memref<1x!tpu.dma_semaphore, #tpu.memory_space<semaphore_mem>>
    %dma_wait3A_319 = tpu.memref_squeeze %dma_wait3A_318 : memref<1x!tpu.dma_semaphore, #tpu.memory_space<semaphore_mem>> -> memref<!tpu.dma_semaphore, #tpu.memory_space<semaphore_mem>>
    %dma_wait3A_320 = arith.constant 0 : i32
    %dma_wait3A_321 = tpu.memref_slice %arg4[%mul3A_2, %dma_wait3A_320] : memref<819200x128xf32, #tpu.memory_space<hbm>> -> memref<128x128xf32, #tpu.memory_space<hbm>>
    %dma_wait3A_322 = arith.constant 0 : i32
    %dma_wait3A_323 = arith.constant 0 : i32
    %dma_wait3A_324 = tpu.memref_slice %arg6[%dma_wait3A_310, %dma_wait3A_322, %dma_wait3A_323] : memref<5x128x128xf32, #tpu.memory_space<vmem>> -> memref<1x128x128xf32, #tpu.memory_space<vmem>>
    %dma_wait3A_325 = tpu.memref_squeeze %dma_wait3A_324 : memref<1x128x128xf32, #tpu.memory_space<vmem>> -> memref<128x128xf32, #tpu.memory_space<vmem>>
    tpu.wait_dma2 semaphore(%dma_wait3A_319 : memref<!tpu.dma_semaphore, #tpu.memory_space<semaphore_mem>>) src(%dma_wait3A_325 : memref<128x128xf32, #tpu.memory_space<vmem>>) dst(%dma_wait3A_321 : memref<128x128xf32, #tpu.memory_space<hbm>>)
    return
  }
}

</mosaic_0001>

<sc_bundles>
// kernel: kernel.3.cloned.1.call-start
scs
__scs_entry_jumppad:
0x0: {  	(pc) =	sbr.rel $0x88, $3  }
0x1: {  	(tag) =	ssettag $0x0;
	lr =	simm.s32 $0x1  }
0x2: {  	[smem:$0x3F9F] =	sst lr;
	_ =	strace $0xD0000000  }
0x3: {  	_ = 	snop  }
0x4: {  	_ = 	snop  }
0x5: {  	_ = 	snop  }
0x6: {  	_ = 	snop  }
0x7: {  	_ = 	snop  }
__scs_overlays_trampoline_lowered:
0x8: {  	[smem:$0x3FAE] =	sst s0  }
0x9: {  	[smem:$0x3FAF] =	sst s1  }
0xa: {  	[smem:$0x3FB0] =	sst s2  }
0xb: {  	[smem:$0x3FB1] =	sst s3  }
0xc: {  	[smem:$0x3FB2] =	sst s4  }
0xd: {  	[smem:$0x3FB3] =	sst s5  }
0xe: {  	[smem:$0x3FB4] =	sst s6  }
0xf: {  	[smem:$0x3FB5] =	sst s7  }
0x10: {  	[smem:$0x3FB6] =	sst s8  }
0x11: {  	[smem:$0x3FB7] =	sst s9;
	s0 =	simm.s32 @!p0 $0x0  }
0x12: {  	s1 =	sld [smem:$0x3F9D];
	s0 =	simm.s32 @p0 $0x1  }
0x13: {  	[smem:$0x3FB8] =	sst s0;
	s0 =	simm.s32 @!p1 $0x0  }
0x14: {  	s2 =	sld [smem:$0x3F9C];
	s0 =	simm.s32 @p1 $0x1  }
0x15: {  	[smem:$0x3FB9] =	sst s0;
	s0 =	simm.s32 @!p2 $0x0  }
0x16: {  	s3 =	sld [smem:$0x3FDB];
	s0 =	simm.s32 @p2 $0x1  }
0x17: {  	s4 =	simm.s32 $0x1BF5;
	[smem:$0x3FBB] =	sst s0  }
0x18: {  	s0 =	sld [smem:$0x3F9E];
	_ =	swait.ge [sflag:s4], $0x0  }
0x19: {  	s7 =	sld [smem:$0x3F9F]  }
0x1a: {  	s8 =	sadd.s32 $0xFFFFE003, lr  }
0x1b: {  	s9 =	sadd.s32 $0xFFFFFEF7, lr;
	s5 =	simm.s32 $0xFFFFFFFF;
	p2 =	slt.u32 s8, $0xFFFFF086  }
0x1c: {  	p1 =	slt.u32 s9, $0xF7A;
	s5 =	simm.s32 @!p2 $0x0  }
0x1d: {  	s5 =	simm.s32 @p1 $0x1;
	p0 =	seq.s32 s7, s2  }
0x1e: {  	s7 =	smul.u32 @!p0 $0xF7A, s2;
	p2 =	seq.s32 @!p0 s5, $0x0  }
0x1f: {  	s9 =	smul.u32 $0xF7A, s1;
	s8 =	simm.s32 @!p0 $0x1BF5;
	p2 =	por !p2, p0  }
0x20: {  	[sflag:s8] =	ssyncset.s32 @!p0 $0xFFFFF086;
	s6 =	sadd.s32 @!p0 s3, s7;
	s7 =	simm.s32 @!p0 $0x108  }
0x21: {  	s3 =	sadd.s32 s3, s9;
	s6 =	sadd.s32 @!p0 $0x88, s6;
	s7 =	simm.s32 @p2 $0x1082  }
0x22: {  	[simem:s7], [sflag:s8] =	dma.local @!p0 [hbm:s6], $0xF7A  }
0x23: {  	s9 =	sor.u32 $0xD0000000, s2;
	s6 =	simm.s32 $0x108;
	_ =	swait.ge @!p0 [sflag:s8], $0x0  }
0x24: {  	s3 =	sadd.s32 $0x88, s3;
	s6 =	simm.s32 @!p1 $0x1082;
	[sflag:s4] =	ssyncset.s32 $0xFFFFF086  }
0x25: {  	[simem:s6], [sflag:s4] =	dma.local [hbm:s3], $0xF7A  }
0x26: {  	[smem:$0x3F9F] =	sst s1;
	(tag) =	ssettag s2;
	_ =	strace s9  }
0x27: {  	s1 =	sld [smem:$0x3FAF]  }
0x28: {  	s2 =	sld [smem:$0x3FB0]  }
0x29: {  	s4 =	sld [smem:$0x3FB2]  }
0x2a: {  	p0 =	seq.s32 s5, $0x0;
	s5 =	sld [smem:$0x3FB3]  }
0x2b: {  	s6 =	sld [smem:$0x3FB4]  }
0x2c: {  	s7 =	sld [smem:$0x3FB5]  }
0x2d: {  	s3 =	simm.s32 $0x108;
	s8 =	sld [smem:$0x3FB6]  }
0x2e: {  	s3 =	simm.s32 @!p0 $0x1082;
	s9 =	sld [smem:$0x3FB7]  }
0x2f: {  	lr =	sadd.s32 s0, s3;
	s0 =	sld [smem:$0x3FAE]  }
0x30: {  	s3 =	sld [smem:$0x3FB1]  }
0x31: {  	[smem:$0x3FBA] =	sst s10  }
0x32: {  	s10 =	sld [smem:$0x3FB8];
	_ =	sdelay $0x3  }
0x33: {  	p0 =	seq.s32 s10, $0x1;
	s10 =	sld [smem:$0x3FBA];
	_ =	sdelay $0x3  }
0x34: {  	[smem:$0x3FBA] =	sst s10  }
0x35: {  	s10 =	sld [smem:$0x3FB9];
	_ =	sdelay $0x3  }
0x36: {  	p1 =	seq.s32 s10, $0x1;
	s10 =	sld [smem:$0x3FBA];
	_ =	sdelay $0x3  }
0x37: {  	[smem:$0x3FBA] =	sst s10  }
0x38: {  	s10 =	sld [smem:$0x3FBB]  }
0x39: {  	_ = 	snop;
	(pc) =	sbr.ind lr, $3  }
0x3a: {  	_ = 	snop  }
0x3b: {  	_ = 	snop  }
0x3c: {  	p2 =	seq.s32 s10, $0x1;
	s10 =	sld [smem:$0x3FBA]  }
0x3d: {  	_ =	shalt  }
0x3e: {  	_ =	shalt  }
0x3f: {  	_ =	shalt  }
0x40: {  	_ =	shalt  }
0x41: {  	_ =	shalt  }
0x42: {  	_ =	shalt  }
0x43: {  	_ =	shalt  }
0x44: {  	_ =	shalt  }
0x45: {  	_ =	shalt  }
0x46: {  	_ =	shalt  }
0x47: {  	_ =	shalt  }
0x48: {  	_ =	shalt  }
0x49: {  	_ =	shalt  }
0x4a: {  	_ =	shalt  }
0x4b: {  	_ =	shalt  }
0x4c: {  	_ =	shalt  }
0x4d: {  	_ =	shalt  }
0x4e: {  	_ =	shalt  }
0x4f: {  	_ =	shalt  }
0x50: {  	_ =	shalt  }
0x51: {  	_ =	shalt  }
0x52: {  	_ =	shalt  }
0x53: {  	_ =	shalt  }
0x54: {  	_ =	shalt  }
0x55: {  	_ =	shalt  }
0x56: {  	_ =	shalt  }
0x57: {  	_ =	shalt  }
0x58: {  	_ =	shalt  }
0x59: {  	_ =	shalt  }
0x5a: {  	_ =	shalt  }
0x5b: {  	_ =	shalt  }
0x5c: {  	_ =	shalt  }
0x5d: {  	_ =	shalt  }
0x5e: {  	_ =	shalt  }
0x5f: {  	_ =	shalt  }
0x60: {  	_ =	shalt  }
0x61: {  	_ =	shalt  }
0x62: {  	_ =	shalt  }
0x63: {  	_ =	shalt  }
0x64: {  	_ =	shalt  }
0x65: {  	_ =	shalt  }
0x66: {  	_ =	shalt  }
0x67: {  	_ =	shalt  }
0x68: {  	_ =	shalt  }
0x69: {  	_ =	shalt  }
0x6a: {  	_ =	shalt  }
0x6b: {  	_ =	shalt  }
0x6c: {  	_ =	shalt  }
0x6d: {  	_ =	shalt  }
0x6e: {  	_ =	shalt  }
0x6f: {  	_ =	shalt  }
0x70: {  	_ =	shalt  }
0x71: {  	_ =	shalt  }
0x72: {  	_ =	shalt  }
0x73: {  	_ =	shalt  }
0x74: {  	_ =	shalt  }
0x75: {  	_ =	shalt  }
0x76: {  	_ =	shalt  }
0x77: {  	_ =	shalt  }
0x78: {  	_ =	shalt  }
0x79: {  	_ =	shalt  }
0x7a: {  	_ =	shalt  }
0x7b: {  	_ =	shalt  }
0x7c: {  	_ =	shalt  }
0x7d: {  	_ =	shalt  }
0x7e: {  	_ =	shalt  }
0x7f: {  	_ =	shalt  }
0x80: {  	_ =	shalt  }
0x81: {  	_ =	shalt  }
0x82: {  	_ =	shalt  }
0x83: {  	_ =	shalt  }
0x84: {  	_ =	shalt  }
0x85: {  	_ =	shalt  }
0x86: {  	_ =	shalt  }
0x87: {  	_ =	shalt  }
.Lfunc_end0:
.L_simem_size_0:
called_computation_lowered:
.L_overlay_start_0:
0x88: {  	s2 =	sld [smem:$0x3FD9]  }
0x89: {  	s3 =	sld [smem:$0x3FFE];
	_ =	sdelay $0x1  }
0x8a: {  	s1 =	srdreg.scid  }
0x8b: {  	s0 =	sand.u32 $0x1, s1  }
0x8c: {  	s17 =	sshll.u32 s0, $0xA;
	s2 =	sadd.s32 s3, s2  }
0x8d: {  	s2 =	sadd.s32 s2, s17  }
0x8e: {  	[smem:$0x3FC6] =	sst s2  }
0x8f: {  	_ = 	snop  }
0x90: {  	s2 =	sld [smem:$0x3FC8]  }
0x91: {  	s18 =	sld [smem:$0x3FD0];
	(tm) =	ssettm $0x1  }
0x92: {  	s4 =	sld [smem:$0x3FFB];
	_ =	sdelay $0x3  }
0x93: {  	_ =	strace s4  }
0x94: {  	s4 =	sld [smem:$0x3FFC];
	_ =	sdelay $0x3  }
0x95: {  	_ =	strace s4  }
0x96: {  	s4 =	sld [smem:$0x3FFD];
	_ =	sdelay $0x3  }
0x97: {  	_ =	strace s4  }
0x98: {  	_ =	strace $0x8FFFFFFF  }
0x99: {  	s19 =	sld [smem:$0x3FDB];
	_ =	sdelay $0x1  }
0x9a: {  	s5 =	simm.s32 $_scs_section_size  }
0x9b: {  	s6 =	simm.s32 $_size__tile_overlayer_lowered;
	s7 =	simm.s32 $_tile_overlayer_lowered  }
0x9c: {  	s22 =	simm.s32 $0x1BFF;
	s21 =	sshll.u32 s7, $0x1;
	s4 =	sadd.s32 s5, s19  }
0x9d: {  	s8 =	simm.s32 $0x0;
	s20 =	sshll.u32 s6, $0x1;
	s6 =	sadd.s32 s21, s4  }
0x9e: {  	[timem:s8], [sflag:s22] =	dma.local [hbm:s6], s20  }
0x9f: {  	_ =	swait.ge [sflag:s22], s20  }
0xa0: {  	s5 =	ssub.s32 $0x0, s20;
	[sflag:s22] =	ssyncset.done $0x0  }
0xa1: {  	[sflag:s22] =	ssyncadd.s32 s5;
	_ =	sdelay $0x1  }
0xa2: {  	s23 =	simm.s32 $0x1B8B  }
0xa3: {  	_ =	swait.ge [sflag:s23], $0x1  }
0xa4: {  	[sflag:s23] =	ssyncset.done $0x0  }
0xa5: {  	s25 =	simm.s32 $0x1B8E;
	s24 =	sld [smem:$0x3FFE];
	[sflag:s23] =	ssyncadd.s32 $0xFFFFFFFF  }
0xa6: {  	s26 =	simm.s32 $execute0_lowered;
	[smem:$0x3FD2] =	sst s25  }
0xa7: {  	s6 =	sshll.u32 s26, $0x1;
	_ =	strace $0x80000046;
	[dreg:$0x1] =	wrdreg $0xFFFFFFFF  }
0xa8: {  	s28 =	simm.s32 $_size_execute0_lowered;
	s4 =	sadd.s32 s4, s6;
	[dreg:$0x0] =	wrdreg $0x0  }
0xa9: {  	s6 =	sshll.u32 s28, $0x1;
	[dreg:$0x2] =	wrdreg s4  }
0xaa: {  	[dreg:$0x3] =	wrdreg s6  }
0xab: {  	[dreg:$0x4] =	wrdreg $0xC0  }
0xac: {  	_ =	task [dreg:s8], $0x5FFFF  }
0xad: {  	[dreg:$0x1] =	wrdreg $0xFFFFFFFF  }
0xae: {  	[dreg:$0x0] =	wrdreg $0x60  }
0xaf: {  	[dreg:$0x2] =	wrdreg s2  }
0xb0: {  	[dreg:$0x3] =	wrdreg s24  }
0xb1: {  	[dreg:$0x4] =	wrdreg s18  }
0xb2: {  	[dreg:$0x5] =	wrdreg $0x9  }
0xb3: {  	_ =	task.clear_ibuf [dreg:s8], $0x6FFFF;
	_ =	strace $0x90000046  }
0xb4: {  	s29 =	simm.s32 $0x9;
	_ =	strace $0x80000048  }
0xb5: {  	_ =	swait.ge [sflag:s29], $0x1  }
0xb6: {  	[sflag:s29] =	ssyncadd.s32 $0xFFFFFFFF  }
0xb7: {  	_ =	strace $0x90000048  }
0xb8: {  	_ =	sfence  }
0xb9: {  	s30 =	sld [smem:$0x0];
	_ =	sdelay $0x2  }
0xba: {  	s31 =	sshll.u32 s1, $0xD;
	s1 =	sshrl.u32 s1, $0x2  }
0xbb: {  	s3 =	sand.u32 $0x4000, s31;
	s1 =	sadd.s32 s1, s30  }
0xbc: {  	s0 =	sor.u32 s3, s0;
	s1 =	sshll.u32 s1, $0x11  }
0xbd: {  	s0 =	sor.u32 s1, s0  }
0xbe: {  	s0 =	sadd.s32 $0x8F2B, s0  }
0xbf: {  	[sflag:s0] =	ssyncadd.remote.s32 $0x1  }
0xc0: {  	_ =	sfence.sel $0xFFFF  }
0xc1: {  	[dreg:$0x0] =	wrdreg $0xFFFFFFFF;
	(pc) =	sbr.abs _section_cstart, $3  }
0xc2: {  	[dreg:$0x1] =	wrdreg $0xFFFFFFFF  }
0xc3: {  	_ =	task.clear_ibuf [dreg:s8], $0x2FFFF;
	_ =	strace $0x9FFFFFFF  }
0xc4: {  	(tm) =	ssettm $0x7FFFFFFF  }
0xc5: {  	_ =	shalt  }
tec
execute0_lowered:
.L_overlay_start_1:
0x0: {  	(tag) =	ssettag $0x1  }
0x1: {  	s1 =	rddreg [dreg:$0x0]  }
0x2: {  	s0 =	rddreg [dreg:$0x1]  }
0x3: {  	s2 =	srdreg.scid;
	s11 =	stileid.u32  }
0x4: {  	s7 =	rddreg [dreg:$0x2];
	s3 =	simm.s32 $0x0;
	s12 =	simm.s32 $0xB  }
0x5: {  	s13 =	simm.s32 $0x80;
	s14 =	simm.s32 $0x6400;
	s15 =	simm.s32 $0xA400  }
0x6: {  	s16 =	simm.s32 $0x1;
	s18 =	simm.s32 $0xE400;
	s19 =	simm.s32 $0x2  }
0x7: {  	s21 =	simm.s32 $0x12400;
	s22 =	simm.s32 $0x3;
	s28 =	simm.s32 $0x5  }
0x8: {  	s2 =	sand.u32 $0x1, s2;
	s4 =	sshll.u32 s11, $0x1;
	s25 =	smul.u32 $0xC8000, s11  }
0x9: {  	s4 =	sor.u32 s2, s4;
	s6 =	ssub.s32 $0x2, s2;
	s2 =	smul.u32 $0x64000, s2  }
0xa: {  	s29 =	simm.s32 $0x7;
	s30 =	simm.s32 $0x8;
	s5 =	smul.u32 $0x6400, s4  }
0xb: {  	s31 =	simm.s32 $0x9;
	[smem:$0x7FF] =	sst s3;
	s8 =	smul.u32 $0x64000, s4  }
0xc: {  	_ =	strace $0x80000047;
	s24 =	sshrl.u32 s6, $0x1;
	s9 =	smul.u32 $0x320000, s4  }
0xd: {  	s10 =	ssub.s32 s6, s24;
	s24 =	simm.s32 $0x16400;
	s5 =	sshrl.u32 s5, $0x3  }
0xe: {  	s26 =	sshrl.u32 s9, $0x3;
	s10 =	smax.u32 s10, $0x1;
	s0 =	sadd.s32 s5, s0  }
0xf: {  	s5 =	sadd.s32 s7, s8;
	s9 =	sadd.s32 s7, s26;
	s26 =	simm.s32 $0x6  }
0x10: {  	s0 =	sadd.s32 $0x400, s0;
	s6 =	sadd.s32 $0x800, s5;
	s8 =	sadd.s32 $0x63000, s9  }
0x11: {  	[dreg:$0x4] =	wrdreg s0;
	s0 =	sadd.s32 s25, s7;
	s7 =	sadd.s32 $0x62800, s9  }
0x12: {  	s9 =	sadd.s32 $0x63800, s9;
	s25 =	simm.s32 $0x4;
	s0 =	sadd.s32 s2, s0  }
0x13: {  	s2 =	simm.s32 $0xA;
	s11 =	sadd.s32 $0x1800, s0;
	s0 =	simm.s32 $0x0  }
.LBB2_1:
0x14: {  	s4 =	rddreg [dreg:$0x4]  }
0x15: {  	[tilespmem:s3], [sflag:$0xB] =	stream.linear.gather [hbm4b:s4+s3], $0x6400, $0x38;
	[tilespmem:$0x1A400] =	vst v63  }
0x16: {  	_ =	swait.ge [sflag:s12], $0x6400  }
0x17: {  	[sflag:s12] =	ssyncset.done $0x0  }
0x18: {  	[sflag:s12] =	ssyncadd.s32 $0xFFFF9C00  }
0x19: {  	[tilespmem:s14], [sflag:$0x1] =	stream.indirect.gather [hbm4b:s1+s13], $0x80, s3, s13, $0xb8;
	[tilespmem:$0x1A400] =	vst v63  }
0x1a: {  	_ = 	snop  }
0x1b: {  	[tilespmem:s15], [sflag:$0x2] =	stream.indirect.gather [hbm4b:s1+s13], $0x80, s13, s13, $0xb8;
	[tilespmem:$0x1A400] =	vst v63  }
0x1c: {  	_ =	swait.ge [sflag:s16], $0x4000  }
0x1d: {  	[sflag:s16] =	ssyncset.done $0x0  }
0x1e: {  	s23 =	simm.s32 $0x100;
	[sflag:s16] =	ssyncadd.s32 $0xFFFFC000  }
0x1f: {  	[tilespmem:s18], [sflag:$0x3] =	stream.indirect.gather [hbm4b:s1+s13], $0x80, s23, s13, $0xb8;
	[tilespmem:$0x1A400] =	vst v63  }
0x20: {  	_ =	swait.ge [sflag:s19], $0x4000  }
0x21: {  	[sflag:s19] =	ssyncset.done $0x0  }
0x22: {  	[sflag:s19] =	ssyncadd.s32 $0xFFFFC000  }
0x23: {  	[hbm4b:s5+s3] =	stream.linear.scatter [tilespmem:s14], [sflag:$0x6], $0x4000, $0x38;
	[tilespmem:$0x1A400] =	vst v63  }
0x24: {  	s17 =	simm.s32 $0x180  }
0x25: {  	[tilespmem:s21], [sflag:$0x4] =	stream.indirect.gather [hbm4b:s1+s13], $0x80, s17, s13, $0xb8;
	[tilespmem:$0x1A400] =	vst v63  }
0x26: {  	_ =	swait.ge [sflag:s22], $0x4000  }
0x27: {  	[sflag:s22] =	ssyncset.done $0x0  }
0x28: {  	[sflag:s22] =	ssyncadd.s32 $0xFFFFC000  }
0x29: {  	[hbm4b:s6+s3] =	stream.linear.scatter [tilespmem:s15], [sflag:$0x7], $0x4000, $0x38;
	[tilespmem:$0x1A400] =	vst v63  }
0x2a: {  	s20 =	simm.s32 $0x200  }
0x2b: {  	[tilespmem:s24], [sflag:$0x5] =	stream.indirect.gather [hbm4b:s1+s13], $0x80, s20, s13, $0xb8;
	[tilespmem:$0x1A400] =	vst v63  }
0x2c: {  	_ =	swait.ge [sflag:s25], $0x4000  }
0x2d: {  	[sflag:s25] =	ssyncset.done $0x0  }
0x2e: {  	s17 =	sadd.s32 $0xFFFFF800, s11;
	[sflag:s25] =	ssyncadd.s32 $0xFFFFC000  }
0x2f: {  	[hbm4b:s17+s3] =	stream.linear.scatter [tilespmem:s18], [sflag:$0x8], $0x4000, $0x38;
	[tilespmem:$0x1A400] =	vst v63  }
0x30: {  	_ =	swait.ge [sflag:s26], $0x4000  }
0x31: {  	[sflag:s26] =	ssyncset.done $0x0  }
0x32: {  	s23 =	simm.s32 $0x280;
	[sflag:s26] =	ssyncadd.s32 $0xFFFFC000  }
0x33: {  	[tilespmem:s14], [sflag:$0x1] =	stream.indirect.gather [hbm4b:s1+s13], $0x80, s23, s13, $0xb8;
	[tilespmem:$0x1A400] =	vst v63  }
0x34: {  	_ =	swait.ge [sflag:s28], $0x4000  }
0x35: {  	[sflag:s28] =	ssyncset.done $0x0  }
0x36: {  	[sflag:s28] =	ssyncadd.s32 $0xFFFFC000  }
0x37: {  	[hbm4b:s11+s3] =	stream.linear.scatter [tilespmem:s21], [sflag:$0x9], $0x4000, $0x38;
	[tilespmem:$0x1A400] =	vst v63  }
0x38: {  	_ =	swait.ge [sflag:s29], $0x4000  }
0x39: {  	[sflag:s29] =	ssyncset.done $0x0  }
0x3a: {  	s4 =	simm.s32 $0x300;
	[sflag:s29] =	ssyncadd.s32 $0xFFFFC000  }
0x3b: {  	[tilespmem:s15], [sflag:$0x2] =	stream.indirect.gather [hbm4b:s1+s13], $0x80, s4, s13, $0xb8;
	[tilespmem:$0x1A400] =	vst v63  }
0x3c: {  	_ =	swait.ge [sflag:s16], $0x4000  }
0x3d: {  	[sflag:s16] =	ssyncset.done $0x0  }
0x3e: {  	s20 =	sadd.s32 $0x800, s11;
	[sflag:s16] =	ssyncadd.s32 $0xFFFFC000  }
0x3f: {  	[hbm4b:s20+s3] =	stream.linear.scatter [tilespmem:s24], [sflag:$0xA], $0x4000, $0x38;
	[tilespmem:$0x1A400] =	vst v63  }
0x40: {  	_ =	swait.ge [sflag:s30], $0x4000  }
0x41: {  	[sflag:s30] =	ssyncset.done $0x0  }
0x42: {  	s23 =	simm.s32 $0x380;
	[sflag:s30] =	ssyncadd.s32 $0xFFFFC000  }
0x43: {  	[tilespmem:s18], [sflag:$0x3] =	stream.indirect.gather [hbm4b:s1+s13], $0x80, s23, s13, $0xb8;
	[tilespmem:$0x1A400] =	vst v63  }
0x44: {  	_ =	swait.ge [sflag:s19], $0x4000  }
0x45: {  	[sflag:s19] =	ssyncset.done $0x0  }
0x46: {  	s4 =	sadd.s32 $0x1000, s11;
	[sflag:s19] =	ssyncadd.s32 $0xFFFFC000  }
0x47: {  	[hbm4b:s4+s3] =	stream.linear.scatter [tilespmem:s14], [sflag:$0x6], $0x4000, $0x38;
	[tilespmem:$0x1A400] =	vst v63  }
0x48: {  	_ =	swait.ge [sflag:s31], $0x4000  }
0x49: {  	[sflag:s31] =	ssyncset.done $0x0  }
0x4a: {  	s20 =	simm.s32 $0x400;
	[sflag:s31] =	ssyncadd.s32 $0xFFFFC000  }
0x4b: {  	[tilespmem:s21], [sflag:$0x4] =	stream.indirect.gather [hbm4b:s1+s13], $0x80, s20, s13, $0xb8;
	[tilespmem:$0x1A400] =	vst v63  }
0x4c: {  	_ =	swait.ge [sflag:s22], $0x4000  }
0x4d: {  	[sflag:s22] =	ssyncset.done $0x0  }
0x4e: {  	s23 =	sadd.s32 $0x1800, s11;
	[sflag:s22] =	ssyncadd.s32 $0xFFFFC000  }
0x4f: {  	[hbm4b:s23+s3] =	stream.linear.scatter [tilespmem:s15], [sflag:$0x7], $0x4000, $0x38;
	[tilespmem:$0x1A400] =	vst v63  }
0x50: {  	_ =	swait.ge [sflag:s2], $0x4000  }
0x51: {  	s17 =	simm.s32 $0xA00;
	[sflag:s2] =	ssyncset.done $0x0  }
0x52: {  	s20 =	sadd.s32 $0x2800, s11;
	s23 =	simm.s32 $0x480;
	[sflag:s2] =	ssyncadd.s32 $0xFFFFC000  }
.LBB2_2:
0x53: {  	[tilespmem:s24], [sflag:$0x5] =	stream.indirect.gather [hbm4b:s1+s13], $0x80, s23, s13, $0xb8;
	[tilespmem:$0x1A400] =	vst v63  }
0x54: {  	s23 =	smov.u32 s17  }
0x55: {  	p0 =	sne.s32 s17, $0x17C00;
	s17 =	sadd.s32 $0xA00, s17;
	_ =	swait.ge [sflag:s25], $0x4000  }
0x56: {  	[sflag:s25] =	ssyncset.done $0x0  }
0x57: {  	s4 =	sadd.s32 $0xFFFFF800, s20;
	[sflag:s25] =	ssyncadd.s32 $0xFFFFC000  }
0x58: {  	[hbm4b:s4+s3] =	stream.linear.scatter [tilespmem:s18], [sflag:$0x8], $0x4000, $0x38;
	[tilespmem:$0x1A400] =	vst v63  }
0x59: {  	_ =	swait.ge [sflag:s26], $0x4000  }
0x5a: {  	s23 =	sshra.s32 s23, $0x2;
	[sflag:s26] =	ssyncset.done $0x0  }
0x5b: {  	s4 =	sadd.s32 $0x280, s23;
	[sflag:s26] =	ssyncadd.s32 $0xFFFFC000  }
0x5c: {  	[tilespmem:s14], [sflag:$0x1] =	stream.indirect.gather [hbm4b:s1+s13], $0x80, s4, s13, $0xb8;
	[tilespmem:$0x1A400] =	vst v63  }
0x5d: {  	_ =	swait.ge [sflag:s28], $0x4000  }
0x5e: {  	[sflag:s28] =	ssyncset.done $0x0  }
0x5f: {  	[sflag:s28] =	ssyncadd.s32 $0xFFFFC000  }
0x60: {  	[hbm4b:s20+s3] =	stream.linear.scatter [tilespmem:s21], [sflag:$0x9], $0x4000, $0x38;
	[tilespmem:$0x1A400] =	vst v63  }
0x61: {  	_ =	swait.ge [sflag:s29], $0x4000  }
0x62: {  	[sflag:s29] =	ssyncset.done $0x0  }
0x63: {  	s4 =	sadd.s32 $0x300, s23;
	[sflag:s29] =	ssyncadd.s32 $0xFFFFC000  }
0x64: {  	[tilespmem:s15], [sflag:$0x2] =	stream.indirect.gather [hbm4b:s1+s13], $0x80, s4, s13, $0xb8;
	[tilespmem:$0x1A400] =	vst v63  }
0x65: {  	_ =	swait.ge [sflag:s16], $0x4000  }
0x66: {  	[sflag:s16] =	ssyncset.done $0x0  }
0x67: {  	s4 =	sadd.s32 $0x800, s20;
	[sflag:s16] =	ssyncadd.s32 $0xFFFFC000  }
0x68: {  	[hbm4b:s4+s3] =	stream.linear.scatter [tilespmem:s24], [sflag:$0xA], $0x4000, $0x38;
	[tilespmem:$0x1A400] =	vst v63  }
0x69: {  	_ =	swait.ge [sflag:s30], $0x4000  }
0x6a: {  	[sflag:s30] =	ssyncset.done $0x0  }
0x6b: {  	s4 =	sadd.s32 $0x380, s23;
	[sflag:s30] =	ssyncadd.s32 $0xFFFFC000  }
0x6c: {  	[tilespmem:s18], [sflag:$0x3] =	stream.indirect.gather [hbm4b:s1+s13], $0x80, s4, s13, $0xb8;
	[tilespmem:$0x1A400] =	vst v63  }
0x6d: {  	_ =	swait.ge [sflag:s19], $0x4000  }
0x6e: {  	[sflag:s19] =	ssyncset.done $0x0  }
0x6f: {  	s4 =	sadd.s32 $0x1000, s20;
	[sflag:s19] =	ssyncadd.s32 $0xFFFFC000  }
0x70: {  	[hbm4b:s4+s3] =	stream.linear.scatter [tilespmem:s14], [sflag:$0x6], $0x4000, $0x38;
	[tilespmem:$0x1A400] =	vst v63  }
0x71: {  	_ =	swait.ge [sflag:s31], $0x4000  }
0x72: {  	[sflag:s31] =	ssyncset.done $0x0  }
0x73: {  	s4 =	sadd.s32 $0x400, s23;
	[sflag:s31] =	ssyncadd.s32 $0xFFFFC000  }
0x74: {  	[tilespmem:s21], [sflag:$0x4] =	stream.indirect.gather [hbm4b:s1+s13], $0x80, s4, s13, $0xb8;
	[tilespmem:$0x1A400] =	vst v63  }
0x75: {  	_ =	swait.ge [sflag:s22], $0x4000  }
0x76: {  	[sflag:s22] =	ssyncset.done $0x0  }
.Ltmp0:
0x77: {  	s4 =	sadd.s32 $0x1800, s20;
	[sflag:s22] =	ssyncadd.s32 $0xFFFFC000;
	(pc) =	sbr.rel @p0 .LBB2_2-.Ltmp0, $4  }
0x78: {  	[hbm4b:s4+s3] =	stream.linear.scatter [tilespmem:s15], [sflag:$0x7], $0x4000, $0x38;
	[tilespmem:$0x1A400] =	vst v63  }
0x79: {  	_ =	swait.ge [sflag:s2], $0x4000  }
0x7a: {  	[sflag:s2] =	ssyncset.done $0x0  }
0x7b: {  	s23 =	sadd.s32 $0x480, s23;
	s20 =	sadd.s32 $0x2800, s20;
	[sflag:s2] =	ssyncadd.s32 $0xFFFFC000  }
0x7c: {  	[tilespmem:s24], [sflag:$0x5] =	stream.indirect.gather [hbm4b:s1+s13], $0x80, s23, s13, $0xb8;
	[tilespmem:$0x1A400] =	vst v63  }
0x7d: {  	_ =	swait.ge [sflag:s25], $0x4000  }
0x7e: {  	[sflag:s25] =	ssyncset.done $0x0  }
0x7f: {  	[sflag:s25] =	ssyncadd.s32 $0xFFFFC000  }
0x80: {  	[hbm4b:s7+s3] =	stream.linear.scatter [tilespmem:s18], [sflag:$0x8], $0x4000, $0x38;
	[tilespmem:$0x1A400] =	vst v63  }
0x81: {  	_ =	swait.ge [sflag:s28], $0x4000  }
0x82: {  	[sflag:s28] =	ssyncset.done $0x0  }
0x83: {  	[sflag:s28] =	ssyncadd.s32 $0xFFFFC000  }
0x84: {  	[hbm4b:s8+s3] =	stream.linear.scatter [tilespmem:s21], [sflag:$0x9], $0x4000, $0x38;
	[tilespmem:$0x1A400] =	vst v63  }
0x85: {  	_ = 	snop  }
0x86: {  	[hbm4b:s9+s3] =	stream.linear.scatter [tilespmem:s24], [sflag:$0xA], $0x4000, $0x38;
	[tilespmem:$0x1A400] =	vst v63  }
0x87: {  	_ =	swait.ge [sflag:s26], $0x4000  }
0x88: {  	[sflag:s26] =	ssyncset.done $0x0  }
0x89: {  	[sflag:s26] =	ssyncadd.s32 $0xFFFFC000  }
0x8a: {  	_ =	swait.ge [sflag:s29], $0x4000  }
0x8b: {  	[sflag:s29] =	ssyncset.done $0x0  }
0x8c: {  	[sflag:s29] =	ssyncadd.s32 $0xFFFFC000  }
0x8d: {  	_ =	swait.ge [sflag:s30], $0x4000  }
0x8e: {  	[sflag:s30] =	ssyncset.done $0x0  }
0x8f: {  	s0 =	sadd.s32 $0x1, s0;
	[sflag:s30] =	ssyncadd.s32 $0xFFFFC000  }
0x90: {  	p0 =	sne.s32 s0, s10;
	_ =	swait.ge [sflag:s31], $0x4000  }
.Ltmp1:
0x91: {  	[sflag:s31] =	ssyncset.done $0x0;
	(pc) =	sbr.rel @p0 .LBB2_1-.Ltmp1, $4  }
0x92: {  	[sflag:s31] =	ssyncadd.s32 $0xFFFFC000  }
0x93: {  	_ =	swait.ge [sflag:s2], $0x4000  }
0x94: {  	[sflag:s2] =	ssyncset.done $0x0  }
0x95: {  	[sflag:s2] =	ssyncadd.s32 $0xFFFFC000  }
0x96: {  	_ =	sfence.sel $0x180000  }
0x97: {  	[bflag:$0x0] =	sbarrier.arrive $0xFFFF  }
0x98: {  	_ =	strace $0x90000047  }
0x99: {  	s0 =	stileid.u32;
	[bflag:$0x2] =	sbarrier.arrive $0xFFFF  }
0x9a: {  	p0 =	sne.s32 s0, $0x0;
	s0 =	rddreg [dreg:$0x3]  }
0x9b: {  	s0 =	sadd.s32 @!p0 $0x100000, s0  }
0x9c: {  	[sflag:s0] =	ssyncadd.tile.s32 @!p0 $0x1;
	_ =	shalt  }
.Lfunc_end2:
_tile_overlayer_lowered:
.L_overlay_start_2:
0x9d: {  	(tag) =	ssettag $0x2  }
0x9e: {  	s0 =	rddreg [dreg:$0x0];
	s2 =	stileid.u32  }
0x9f: {  	s1 =	rddreg [dreg:$0x1];
	p0 =	sne.s32 s2, $0x0  }
0xa0: {  	s3 =	rddreg [dreg:$0x2];
	[bflag:$0x3] =	sbarrier.arrive $0xFFFF;
	s2 =	simm.s32 @!p0 $0x1C0B  }
0xa1: {  	[timem:s3], [sflag:s2] =	dma.local @!p0 [hbm:s0], s1  }
0xa2: {  	s0 =	simm.s32 @!p0 $0xB  }
0xa3: {  	_ =	swait.ge @!p0 [sflag:s0], s1  }
0xa4: {  	s1 =	ssub.s32 @!p0 $0x0, s1;
	[sflag:s0] =	ssyncset.done @!p0 $0x0  }
0xa5: {  	[sflag:s0] =	ssyncadd.s32 @!p0 s1  }
0xa6: {  	[bflag:$0x3] =	sbarrier.arrive $0xFFFF  }
0xa7: {  	_ =	shalt  }

</sc_bundles>
